<compile_context>
chip_gen: v7x
topology: tpu7x:2x2x1
jax: 0.10.2.dev20260603
libtpu: 0.0.44.dev20260713+nightly
codegen_flags: <defaults>
</compile_context>

<pallas_src>
import numpy as np

import jax
import jax.numpy as jnp
from jax import lax
from jax.experimental import pallas as pl
from jax.experimental.pallas import tpu as pltpu

_R = 2048


def _table_idx():
    ZERO = 5796
    idx = np.full((256, 32), ZERO, np.int32)
    for t in range(21):
        for g in range(8):
            for j in range(3):
                for i in range(3):
                    idx[(j * 3 + i) * 8 + g, t] = t * 128 + g * 16 + j * 4 + i
            for i in range(3):
                idx[72 + i * 8 + g, t] = t * 128 + g * 16 + i * 4 + 3
        for a in range(37):
            for j in range(3):
                idx[96 + 40 * j + a, t] = 2688 + t * 111 + a * 3 + j
            idx[216 + a, t] = 2688 + 2331 + t * 37 + a
    return idx


_IDX = _table_idx()


def _build_table(frame_table, group_idx, lit_positions):
    src = jnp.concatenate([
        frame_table.reshape(-1), lit_positions.reshape(-1),
        group_idx.reshape(-1).astype(jnp.float32),
        jnp.zeros((1,), jnp.float32)])
    T = src[jnp.asarray(_IDX)]
    hi = T.astype(jnp.bfloat16)
    lo = (T - hi.astype(jnp.float32)).astype(jnp.bfloat16)
    return jnp.concatenate([hi, lo], axis=0)


def _body(a_ref, sc_ref, t_ref, p_ref, o_ref):
    R = a_ref.shape[-1]
    f32 = jnp.float32
    aat = a_ref[0]
    H = (lax.broadcasted_iota(jnp.int32, (32, R), 0) == aat).astype(jnp.bfloat16)
    G2 = lax.dot_general(t_ref[...], H, (((1,), (0,)), ((), ())),
                         preferred_element_type=f32)
    G = G2[:256] + G2[256:]

    s8 = jnp.concatenate([jnp.zeros((1, R), f32), sc_ref[0]], axis=0)
    c8 = jnp.concatenate([jnp.ones((1, R), f32), sc_ref[1]], axis=0)

    D = [[G[(j * 3 + i) * 8:(j * 3 + i) * 8 + 8] for i in range(3)]
         for j in range(3)]
    T0 = [G[72 + i * 8:72 + i * 8 + 8] for i in range(3)]

    Rj = [[None] * 3 for _ in range(3)]
    for j in range(3):
        Rj[j][0] = D[j][0]
        Rj[j][1] = c8 * D[j][1] + s8 * D[j][2]
        Rj[j][2] = c8 * D[j][2] - s8 * D[j][1]

    r = [[[Rj[j][i][g:g + 1] for i in range(3)] for j in range(3)]
         for g in range(8)]
    t = [[T0[i][g:g + 1] for i in range(3)] for g in range(8)]

    for g in (5, 6, 7):
        p, q, tq, tp = r[g - 1], r[g], t[g], t[g - 1]
        r[g] = [[p[j][0] * q[0][i] + p[j][1] * q[1][i] + p[j][2] * q[2][i]
                 for i in range(3)] for j in range(3)]
        t[g] = [p[i][0] * tq[0] + p[i][1] * tq[1] + p[i][2] * tq[2] + tp[i]
                for i in range(3)]

    lit = [G[96 + 40 * j:96 + 40 * j + 37] for j in range(3)]
    ridx = G[216:253]

    b2 = ridx >= f32(4)
    rem = ridx - jnp.where(b2, f32(4), f32(0))
    b1 = rem >= f32(2)
    rem2 = rem - jnp.where(b1, f32(2), f32(0))
    b0 = rem2 >= f32(1)

    def sel3(vals):
        l1 = [jnp.where(b0, vals[2 * k + 1], vals[2 * k]) for k in range(4)]
        l2 = [jnp.where(b1, l1[2 * k + 1], l1[2 * k]) for k in range(2)]
        return jnp.where(b2, l2[1], l2[0])

    Rs = [[sel3([r[g][j][i] for g in range(8)]) for i in range(3)]
          for j in range(3)]
    Ts = [sel3([t[g][i] for g in range(8)]) for i in range(3)]

    bf16 = jnp.bfloat16
    zpad = jnp.zeros((3, R), bf16)
    parts = []
    for i in range(3):
        oi = (lit[0] * Rs[0][i] + lit[1] * Rs[1][i]
              + lit[2] * Rs[2][i] + Ts[i])
        oh = oi.astype(bf16)
        ol = (oi - oh.astype(f32)).astype(bf16)
        parts += [oh, zpad, ol, zpad]
    X = jnp.concatenate(parts, axis=0)
    o_ref[...] = lax.dot_general(X, p_ref[...], (((0,), (0,)), ((), ())),
                                 preferred_element_type=f32)


def _run(aat3, sc_t, table, pt, interpret=False):
    NB = aat3.shape[0]
    R = aat3.shape[-1]
    N = NB * R
    return pl.pallas_call(
        _body,
        grid=(NB,),
        in_specs=[
            pl.BlockSpec((1, 1, R), lambda i: (i, 0, 0)),
            pl.BlockSpec((2, 7, R), lambda i: (0, 0, i)),
            pl.BlockSpec((512, 32), lambda i: (0, 0)),
            pl.BlockSpec((240, 111), lambda i: (0, 0)),
        ],
        out_specs=pl.BlockSpec((R, 111), lambda i: (i, 0)),
        out_shape=jax.ShapeDtypeStruct((N, 111), jnp.float32),
        compiler_params=pltpu.CompilerParams(
            dimension_semantics=("parallel",)),
        interpret=interpret,
    )(aat3, sc_t, table, pt)


def kernel(aatype, sin_cos, frame_table, group_idx, lit_positions):
    B, L = aatype.shape
    N = B * L
    R = _R
    NB = N // R
    aat3 = aatype.astype(jnp.int32).reshape(NB, 1, R)
    sc_t = jnp.transpose(sin_cos.reshape(N, 7, 2), (2, 1, 0))
    table = _build_table(frame_table.astype(jnp.float32), group_idx,
                         lit_positions.astype(jnp.float32))
    rows = jnp.arange(240)
    a = rows % 40
    col = a * 3 + rows // 80
    pt = ((jnp.arange(111)[None, :] == col[:, None])
          & (a < 37)[:, None]).astype(jnp.bfloat16)
    out = _run(aat3, sc_t, table, pt)
    return out.reshape(B, L, 37, 3)

# --- scband reference (transcript-rebuilt; emitter-appended) ---
"""Pipeline reference for scband-torsion-position-transformer-38465727103612 (READ-ONLY COPY).

The authoritative reference and input builder live on the scoring server;
editing this copy changes nothing except your own understanding.
"""

import jax, jax.numpy as jnp
import numpy as np

B, L = 16, 4096
NRES, NGROUP, NATOM = 21, 8, 37


def multi_rigid(r1, t1, r2, t2):
    r = jnp.einsum('...ij,...jk->...ik', r1, r2)
    t = jnp.einsum('...ij,...j->...i', r1, t2) + t1
    return r, t


def setup_inputs(seed: int = 0) -> dict:
    key = jax.random.key(seed)
    k1, k2, k3, k4, k5 = jax.random.split(key, 5)
    aatype = jax.random.randint(k1, (B, L), 0, NRES)
    sin_cos = jax.random.normal(k2, (B, L, 7, 2), dtype=jnp.float32)
    frame_table = jax.random.normal(k3, (NRES, NGROUP, 4, 4), dtype=jnp.float32)
    group_idx = jax.random.randint(k4, (NRES, NATOM), 0, NGROUP)
    lit_positions = jax.random.normal(k5, (NRES, NATOM, 3), dtype=jnp.float32)
    return {"aatype": aatype, "sin_cos": sin_cos, "frame_table": frame_table,
            "group_idx": group_idx, "lit_positions": lit_positions}


def reference(aatype, sin_cos, frame_table, group_idx, lit_positions):
    # torsion7_to_frame8: embedding lookup of per-restype default frames
    default_frames = frame_table[aatype]               # [B,L,8,4,4]
    default_rot = default_frames[..., :3, :3]
    default_trans = default_frames[..., :3, 3]
    zeros1 = jnp.zeros(aatype.shape + (1,), sin_cos.dtype)
    ones1 = jnp.ones_like(zeros1)
    sin_angles = jnp.concatenate([zeros1, sin_cos[..., 0]], axis=-1)   # [B,L,8]
    cos_angles = jnp.concatenate([ones1, sin_cos[..., 1]], axis=-1)
    zeros = jnp.zeros_like(sin_angles)
    ones = jnp.ones_like(sin_angles)
    all_rots = jnp.stack([ones, zeros, zeros,
                          zeros, cos_angles, -sin_angles,
                          zeros, sin_angles, cos_angles], axis=-1)
    all_rots = all_rots.reshape(sin_angles.shape + (3, 3))
    r, t = multi_rigid(default_rot, default_trans, all_rots, jnp.zeros_like(default_trans))
    r_chi1, t_chi1 = r[..., 4, :, :], t[..., 4, :]
    r_chi2, t_chi2 = multi_rigid(r_chi1, t_chi1, r[..., 5, :, :], t[..., 5, :])
    r_chi3, t_chi3 = multi_rigid(r_chi2, t_chi2, r[..., 6, :, :], t[..., 6, :])
    r_chi4, t_chi4 = multi_rigid(r_chi3, t_chi3, r[..., 7, :, :], t[..., 7, :])
    r = jnp.concatenate([r[..., :5, :, :], r_chi2[..., None, :, :],
                         r_chi3[..., None, :, :], r_chi4[..., None, :, :]], axis=-3)
    t = jnp.concatenate([t[..., :5, :], t_chi2[..., None, :],
                         t_chi3[..., None, :], t_chi4[..., None, :]], axis=-2)
    # local_frame8_to_local_atom37: lookups + per-atom gather over group dim
    ridx = group_idx[aatype]                            # [B,L,37]
    lit = lit_positions[aatype]                         # [B,L,37,3]
    idx_r = jnp.broadcast_to(ridx[..., None, None], ridx.shape + (3, 3))
    r2 = jnp.take_along_axis(r, idx_r, axis=-3)         # [B,L,37,3,3]
    idx_t = jnp.broadcast_to(ridx[..., None], ridx.shape + (3,))
    t2 = jnp.take_along_axis(t, idx_t, axis=-2)         # [B,L,37,3]
    r2 = jnp.swapaxes(r2, -1, -2)
    out = jnp.einsum('...ij,...j->...i', r2, lit) + t2  # apply_rigid
    return out

if __name__ == "__main__":
    import jax
    _d = setup_inputs()
    print(jax.jit(kernel)(*tuple(_d.values())))

</pallas_src>

<mosaic_0001>
module attributes {stable_mosaic.version = 14 : i64} {
  func.func @_body(%arg0: i32, %arg1: memref<1x1x2048xi32, #tpu.memory_space<vmem>>, %arg2: memref<2x7x2048xf32, #tpu.memory_space<vmem>>, %arg3: memref<512x32xbf16, #tpu.memory_space<vmem>>, %arg4: memref<240x111xbf16, #tpu.memory_space<vmem>>, %arg5: memref<2048x111xf32, #tpu.memory_space<vmem>>) attributes {dimension_semantics = [#tpu.dimension_semantics<parallel>], iteration_bounds = array<i64: 32>, scalar_prefetch = 0 : i64, scratch_operands = 0 : i64, tpu.core_type = #tpu.core_type<tc>, window_params = [{transform_indices = @transform_0, window_bounds = array<i64: 1, 1, 2048>}, {transform_indices = @transform_1, window_bounds = array<i64: 2, 7, 2048>}, {pipeline_mode = #tpu.pipeline_mode<synchronous>, transform_indices = @transform_2, window_bounds = array<i64: 512, 32>}, {pipeline_mode = #tpu.pipeline_mode<synchronous>, transform_indices = @transform_3, window_bounds = array<i64: 240, 111>}, {transform_indices = @transform_4, window_bounds = array<i64: 2048, 111>}]} {
    %get3A = arith.constant 0 : index
    %get3A_0 = arith.constant 0 : index
    %get3A_1 = arith.constant 0 : index
    %get3A_2 = vector.load %arg1[%get3A, %get3A_0, %get3A_1] : memref<1x1x2048xi32, #tpu.memory_space<vmem>>, vector<1x1x2048xi32>
    %get3A_3 = vector.shape_cast %get3A_2 : vector<1x1x2048xi32> to vector<1x2048xi32>
    %iota3A = tpu.iota {dimensions = array<i32: 0>} : vector<32x2048xi32>
    %eq3A = vector.broadcast %get3A_3 : vector<1x2048xi32> to vector<32x2048xi32>
    %eq3A_4 = arith.cmpi eq, %iota3A, %eq3A : vector<32x2048xi32>
    %convert_element_type3A = arith.extui %eq3A_4 : vector<32x2048xi1> to vector<32x2048xi32>
    %convert_element_type3A_5 = arith.sitofp %convert_element_type3A : vector<32x2048xi32> to vector<32x2048xf32>
    %convert_element_type3A_6 = arith.truncf %convert_element_type3A_5 : vector<32x2048xf32> to vector<32x2048xbf16>
    %get3A_7 = arith.constant 0 : index
    %get3A_8 = arith.constant 0 : index
    %get3A_9 = vector.load %arg3[%get3A_7, %get3A_8] : memref<512x32xbf16, #tpu.memory_space<vmem>>, vector<512x32xbf16>
    %dot_general3A = arith.constant dense<0.000000e+00> : vector<512x2048xf32>
    %dot_general3A_10 = tpu.matmul %get3A_9, %convert_element_type3A_6, %dot_general3A {dimension_numbers = #tpu.dot_dimension_numbers<[1], [0], [0], [1], [0, 0, 1, 1], [], []>, transpose_lhs_hint = false} : vector<512x32xbf16>, vector<32x2048xbf16>, vector<512x2048xf32> -> vector<512x2048xf32>
    %slice3A = vector.extract_strided_slice %dot_general3A_10 {offsets = [0, 0], sizes = [256, 2048], strides = [1, 1]} : vector<512x2048xf32> to vector<256x2048xf32>
    %slice3A_11 = vector.extract_strided_slice %dot_general3A_10 {offsets = [256, 0], sizes = [256, 2048], strides = [1, 1]} : vector<512x2048xf32> to vector<256x2048xf32>
    %add3A = arith.addf %slice3A, %slice3A_11 : vector<256x2048xf32>
    %broadcast_in_dim3A = arith.constant 0.000000e+00 : f32
    %broadcast_in_dim3A_12 = vector.broadcast %broadcast_in_dim3A : f32 to vector<1x2048xf32>
    %get3A_13 = arith.constant 0 : index
    %get3A_14 = arith.constant 0 : index
    %get3A_15 = arith.constant 0 : index
    %get3A_16 = vector.load %arg2[%get3A_13, %get3A_14, %get3A_15] : memref<2x7x2048xf32, #tpu.memory_space<vmem>>, vector<1x7x2048xf32>
    %get3A_17 = vector.shape_cast %get3A_16 : vector<1x7x2048xf32> to vector<7x2048xf32>
    %concatenate3A = tpu.concatenate %broadcast_in_dim3A_12, %get3A_17 in 0 : vector<1x2048xf32>, vector<7x2048xf32> -> vector<8x2048xf32>
    %broadcast_in_dim3A_18 = arith.constant 1.000000e+00 : f32
    %broadcast_in_dim3A_19 = vector.broadcast %broadcast_in_dim3A_18 : f32 to vector<1x2048xf32>
    %get3A_20 = arith.constant 1 : index
    %get3A_21 = arith.constant 0 : index
    %get3A_22 = arith.constant 0 : index
    %get3A_23 = vector.load %arg2[%get3A_20, %get3A_21, %get3A_22] : memref<2x7x2048xf32, #tpu.memory_space<vmem>>, vector<1x7x2048xf32>
    %get3A_24 = vector.shape_cast %get3A_23 : vector<1x7x2048xf32> to vector<7x2048xf32>
    %concatenate3A_25 = tpu.concatenate %broadcast_in_dim3A_19, %get3A_24 in 0 : vector<1x2048xf32>, vector<7x2048xf32> -> vector<8x2048xf32>
    %slice3A_26 = vector.extract_strided_slice %add3A {offsets = [0, 0], sizes = [8, 2048], strides = [1, 1]} : vector<256x2048xf32> to vector<8x2048xf32>
    %slice3A_27 = vector.extract_strided_slice %add3A {offsets = [8, 0], sizes = [8, 2048], strides = [1, 1]} : vector<256x2048xf32> to vector<8x2048xf32>
    %slice3A_28 = vector.extract_strided_slice %add3A {offsets = [16, 0], sizes = [8, 2048], strides = [1, 1]} : vector<256x2048xf32> to vector<8x2048xf32>
    %slice3A_29 = vector.extract_strided_slice %add3A {offsets = [24, 0], sizes = [8, 2048], strides = [1, 1]} : vector<256x2048xf32> to vector<8x2048xf32>
    %slice3A_30 = vector.extract_strided_slice %add3A {offsets = [32, 0], sizes = [8, 2048], strides = [1, 1]} : vector<256x2048xf32> to vector<8x2048xf32>
    %slice3A_31 = vector.extract_strided_slice %add3A {offsets = [40, 0], sizes = [8, 2048], strides = [1, 1]} : vector<256x2048xf32> to vector<8x2048xf32>
    %slice3A_32 = vector.extract_strided_slice %add3A {offsets = [48, 0], sizes = [8, 2048], strides = [1, 1]} : vector<256x2048xf32> to vector<8x2048xf32>
    %slice3A_33 = vector.extract_strided_slice %add3A {offsets = [56, 0], sizes = [8, 2048], strides = [1, 1]} : vector<256x2048xf32> to vector<8x2048xf32>
    %slice3A_34 = vector.extract_strided_slice %add3A {offsets = [64, 0], sizes = [8, 2048], strides = [1, 1]} : vector<256x2048xf32> to vector<8x2048xf32>
    %slice3A_35 = vector.extract_strided_slice %add3A {offsets = [72, 0], sizes = [8, 2048], strides = [1, 1]} : vector<256x2048xf32> to vector<8x2048xf32>
    %slice3A_36 = vector.extract_strided_slice %add3A {offsets = [80, 0], sizes = [8, 2048], strides = [1, 1]} : vector<256x2048xf32> to vector<8x2048xf32>
    %slice3A_37 = vector.extract_strided_slice %add3A {offsets = [88, 0], sizes = [8, 2048], strides = [1, 1]} : vector<256x2048xf32> to vector<8x2048xf32>
    %mul3A = arith.mulf %concatenate3A_25, %slice3A_27 : vector<8x2048xf32>
    %mul3A_38 = arith.mulf %concatenate3A, %slice3A_28 : vector<8x2048xf32>
    %add3A_39 = arith.addf %mul3A, %mul3A_38 : vector<8x2048xf32>
    %mul3A_40 = arith.mulf %concatenate3A_25, %slice3A_28 : vector<8x2048xf32>
    %mul3A_41 = arith.mulf %concatenate3A, %slice3A_27 : vector<8x2048xf32>
    %sub3A = arith.subf %mul3A_40, %mul3A_41 : vector<8x2048xf32>
    %mul3A_42 = arith.mulf %concatenate3A_25, %slice3A_30 : vector<8x2048xf32>
    %mul3A_43 = arith.mulf %concatenate3A, %slice3A_31 : vector<8x2048xf32>
    %add3A_44 = arith.addf %mul3A_42, %mul3A_43 : vector<8x2048xf32>
    %mul3A_45 = arith.mulf %concatenate3A_25, %slice3A_31 : vector<8x2048xf32>
    %mul3A_46 = arith.mulf %concatenate3A, %slice3A_30 : vector<8x2048xf32>
    %sub3A_47 = arith.subf %mul3A_45, %mul3A_46 : vector<8x2048xf32>
    %mul3A_48 = arith.mulf %concatenate3A_25, %slice3A_33 : vector<8x2048xf32>
    %mul3A_49 = arith.mulf %concatenate3A, %slice3A_34 : vector<8x2048xf32>
    %add3A_50 = arith.addf %mul3A_48, %mul3A_49 : vector<8x2048xf32>
    %mul3A_51 = arith.mulf %concatenate3A_25, %slice3A_34 : vector<8x2048xf32>
    %mul3A_52 = arith.mulf %concatenate3A, %slice3A_33 : vector<8x2048xf32>
    %sub3A_53 = arith.subf %mul3A_51, %mul3A_52 : vector<8x2048xf32>
    %slice3A_54 = vector.extract_strided_slice %slice3A_26 {offsets = [0, 0], sizes = [1, 2048], strides = [1, 1]} : vector<8x2048xf32> to vector<1x2048xf32>
    %slice3A_55 = vector.extract_strided_slice %add3A_39 {offsets = [0, 0], sizes = [1, 2048], strides = [1, 1]} : vector<8x2048xf32> to vector<1x2048xf32>
    %slice3A_56 = vector.extract_strided_slice %sub3A {offsets = [0, 0], sizes = [1, 2048], strides = [1, 1]} : vector<8x2048xf32> to vector<1x2048xf32>
    %slice3A_57 = vector.extract_strided_slice %slice3A_29 {offsets = [0, 0], sizes = [1, 2048], strides = [1, 1]} : vector<8x2048xf32> to vector<1x2048xf32>
    %slice3A_58 = vector.extract_strided_slice %add3A_44 {offsets = [0, 0], sizes = [1, 2048], strides = [1, 1]} : vector<8x2048xf32> to vector<1x2048xf32>
    %slice3A_59 = vector.extract_strided_slice %sub3A_47 {offsets = [0, 0], sizes = [1, 2048], strides = [1, 1]} : vector<8x2048xf32> to vector<1x2048xf32>
    %slice3A_60 = vector.extract_strided_slice %slice3A_32 {offsets = [0, 0], sizes = [1, 2048], strides = [1, 1]} : vector<8x2048xf32> to vector<1x2048xf32>
    %slice3A_61 = vector.extract_strided_slice %add3A_50 {offsets = [0, 0], sizes = [1, 2048], strides = [1, 1]} : vector<8x2048xf32> to vector<1x2048xf32>
    %slice3A_62 = vector.extract_strided_slice %sub3A_53 {offsets = [0, 0], sizes = [1, 2048], strides = [1, 1]} : vector<8x2048xf32> to vector<1x2048xf32>
    %slice3A_63 = vector.extract_strided_slice %slice3A_26 {offsets = [1, 0], sizes = [1, 2048], strides = [1, 1]} : vector<8x2048xf32> to vector<1x2048xf32>
    %slice3A_64 = vector.extract_strided_slice %add3A_39 {offsets = [1, 0], sizes = [1, 2048], strides = [1, 1]} : vector<8x2048xf32> to vector<1x2048xf32>
    %slice3A_65 = vector.extract_strided_slice %sub3A {offsets = [1, 0], sizes = [1, 2048], strides = [1, 1]} : vector<8x2048xf32> to vector<1x2048xf32>
    %slice3A_66 = vector.extract_strided_slice %slice3A_29 {offsets = [1, 0], sizes = [1, 2048], strides = [1, 1]} : vector<8x2048xf32> to vector<1x2048xf32>
    %slice3A_67 = vector.extract_strided_slice %add3A_44 {offsets = [1, 0], sizes = [1, 2048], strides = [1, 1]} : vector<8x2048xf32> to vector<1x2048xf32>
    %slice3A_68 = vector.extract_strided_slice %sub3A_47 {offsets = [1, 0], sizes = [1, 2048], strides = [1, 1]} : vector<8x2048xf32> to vector<1x2048xf32>
    %slice3A_69 = vector.extract_strided_slice %slice3A_32 {offsets = [1, 0], sizes = [1, 2048], strides = [1, 1]} : vector<8x2048xf32> to vector<1x2048xf32>
    %slice3A_70 = vector.extract_strided_slice %add3A_50 {offsets = [1, 0], sizes = [1, 2048], strides = [1, 1]} : vector<8x2048xf32> to vector<1x2048xf32>
    %slice3A_71 = vector.extract_strided_slice %sub3A_53 {offsets = [1, 0], sizes = [1, 2048], strides = [1, 1]} : vector<8x2048xf32> to vector<1x2048xf32>
    %slice3A_72 = vector.extract_strided_slice %slice3A_26 {offsets = [2, 0], sizes = [1, 2048], strides = [1, 1]} : vector<8x2048xf32> to vector<1x2048xf32>
    %slice3A_73 = vector.extract_strided_slice %add3A_39 {offsets = [2, 0], sizes = [1, 2048], strides = [1, 1]} : vector<8x2048xf32> to vector<1x2048xf32>
    %slice3A_74 = vector.extract_strided_slice %sub3A {offsets = [2, 0], sizes = [1, 2048], strides = [1, 1]} : vector<8x2048xf32> to vector<1x2048xf32>
    %slice3A_75 = vector.extract_strided_slice %slice3A_29 {offsets = [2, 0], sizes = [1, 2048], strides = [1, 1]} : vector<8x2048xf32> to vector<1x2048xf32>
    %slice3A_76 = vector.extract_strided_slice %add3A_44 {offsets = [2, 0], sizes = [1, 2048], strides = [1, 1]} : vector<8x2048xf32> to vector<1x2048xf32>
    %slice3A_77 = vector.extract_strided_slice %sub3A_47 {offsets = [2, 0], sizes = [1, 2048], strides = [1, 1]} : vector<8x2048xf32> to vector<1x2048xf32>
    %slice3A_78 = vector.extract_strided_slice %slice3A_32 {offsets = [2, 0], sizes = [1, 2048], strides = [1, 1]} : vector<8x2048xf32> to vector<1x2048xf32>
    %slice3A_79 = vector.extract_strided_slice %add3A_50 {offsets = [2, 0], sizes = [1, 2048], strides = [1, 1]} : vector<8x2048xf32> to vector<1x2048xf32>
    %slice3A_80 = vector.extract_strided_slice %sub3A_53 {offsets = [2, 0], sizes = [1, 2048], strides = [1, 1]} : vector<8x2048xf32> to vector<1x2048xf32>
    %slice3A_81 = vector.extract_strided_slice %slice3A_26 {offsets = [3, 0], sizes = [1, 2048], strides = [1, 1]} : vector<8x2048xf32> to vector<1x2048xf32>
    %slice3A_82 = vector.extract_strided_slice %add3A_39 {offsets = [3, 0], sizes = [1, 2048], strides = [1, 1]} : vector<8x2048xf32> to vector<1x2048xf32>
    %slice3A_83 = vector.extract_strided_slice %sub3A {offsets = [3, 0], sizes = [1, 2048], strides = [1, 1]} : vector<8x2048xf32> to vector<1x2048xf32>
    %slice3A_84 = vector.extract_strided_slice %slice3A_29 {offsets = [3, 0], sizes = [1, 2048], strides = [1, 1]} : vector<8x2048xf32> to vector<1x2048xf32>
    %slice3A_85 = vector.extract_strided_slice %add3A_44 {offsets = [3, 0], sizes = [1, 2048], strides = [1, 1]} : vector<8x2048xf32> to vector<1x2048xf32>
    %slice3A_86 = vector.extract_strided_slice %sub3A_47 {offsets = [3, 0], sizes = [1, 2048], strides = [1, 1]} : vector<8x2048xf32> to vector<1x2048xf32>
    %slice3A_87 = vector.extract_strided_slice %slice3A_32 {offsets = [3, 0], sizes = [1, 2048], strides = [1, 1]} : vector<8x2048xf32> to vector<1x2048xf32>
    %slice3A_88 = vector.extract_strided_slice %add3A_50 {offsets = [3, 0], sizes = [1, 2048], strides = [1, 1]} : vector<8x2048xf32> to vector<1x2048xf32>
    %slice3A_89 = vector.extract_strided_slice %sub3A_53 {offsets = [3, 0], sizes = [1, 2048], strides = [1, 1]} : vector<8x2048xf32> to vector<1x2048xf32>
    %slice3A_90 = vector.extract_strided_slice %slice3A_26 {offsets = [4, 0], sizes = [1, 2048], strides = [1, 1]} : vector<8x2048xf32> to vector<1x2048xf32>
    %slice3A_91 = vector.extract_strided_slice %add3A_39 {offsets = [4, 0], sizes = [1, 2048], strides = [1, 1]} : vector<8x2048xf32> to vector<1x2048xf32>
    %slice3A_92 = vector.extract_strided_slice %sub3A {offsets = [4, 0], sizes = [1, 2048], strides = [1, 1]} : vector<8x2048xf32> to vector<1x2048xf32>
    %slice3A_93 = vector.extract_strided_slice %slice3A_29 {offsets = [4, 0], sizes = [1, 2048], strides = [1, 1]} : vector<8x2048xf32> to vector<1x2048xf32>
    %slice3A_94 = vector.extract_strided_slice %add3A_44 {offsets = [4, 0], sizes = [1, 2048], strides = [1, 1]} : vector<8x2048xf32> to vector<1x2048xf32>
    %slice3A_95 = vector.extract_strided_slice %sub3A_47 {offsets = [4, 0], sizes = [1, 2048], strides = [1, 1]} : vector<8x2048xf32> to vector<1x2048xf32>
    %slice3A_96 = vector.extract_strided_slice %slice3A_32 {offsets = [4, 0], sizes = [1, 2048], strides = [1, 1]} : vector<8x2048xf32> to vector<1x2048xf32>
    %slice3A_97 = vector.extract_strided_slice %add3A_50 {offsets = [4, 0], sizes = [1, 2048], strides = [1, 1]} : vector<8x2048xf32> to vector<1x2048xf32>
    %slice3A_98 = vector.extract_strided_slice %sub3A_53 {offsets = [4, 0], sizes = [1, 2048], strides = [1, 1]} : vector<8x2048xf32> to vector<1x2048xf32>
    %slice3A_99 = vector.extract_strided_slice %slice3A_26 {offsets = [5, 0], sizes = [1, 2048], strides = [1, 1]} : vector<8x2048xf32> to vector<1x2048xf32>
    %slice3A_100 = vector.extract_strided_slice %add3A_39 {offsets = [5, 0], sizes = [1, 2048], strides = [1, 1]} : vector<8x2048xf32> to vector<1x2048xf32>
    %slice3A_101 = vector.extract_strided_slice %sub3A {offsets = [5, 0], sizes = [1, 2048], strides = [1, 1]} : vector<8x2048xf32> to vector<1x2048xf32>
    %slice3A_102 = vector.extract_strided_slice %slice3A_29 {offsets = [5, 0], sizes = [1, 2048], strides = [1, 1]} : vector<8x2048xf32> to vector<1x2048xf32>
    %slice3A_103 = vector.extract_strided_slice %add3A_44 {offsets = [5, 0], sizes = [1, 2048], strides = [1, 1]} : vector<8x2048xf32> to vector<1x2048xf32>
    %slice3A_104 = vector.extract_strided_slice %sub3A_47 {offsets = [5, 0], sizes = [1, 2048], strides = [1, 1]} : vector<8x2048xf32> to vector<1x2048xf32>
    %slice3A_105 = vector.extract_strided_slice %slice3A_32 {offsets = [5, 0], sizes = [1, 2048], strides = [1, 1]} : vector<8x2048xf32> to vector<1x2048xf32>
    %slice3A_106 = vector.extract_strided_slice %add3A_50 {offsets = [5, 0], sizes = [1, 2048], strides = [1, 1]} : vector<8x2048xf32> to vector<1x2048xf32>
    %slice3A_107 = vector.extract_strided_slice %sub3A_53 {offsets = [5, 0], sizes = [1, 2048], strides = [1, 1]} : vector<8x2048xf32> to vector<1x2048xf32>
    %slice3A_108 = vector.extract_strided_slice %slice3A_26 {offsets = [6, 0], sizes = [1, 2048], strides = [1, 1]} : vector<8x2048xf32> to vector<1x2048xf32>
    %slice3A_109 = vector.extract_strided_slice %add3A_39 {offsets = [6, 0], sizes = [1, 2048], strides = [1, 1]} : vector<8x2048xf32> to vector<1x2048xf32>
    %slice3A_110 = vector.extract_strided_slice %sub3A {offsets = [6, 0], sizes = [1, 2048], strides = [1, 1]} : vector<8x2048xf32> to vector<1x2048xf32>
    %slice3A_111 = vector.extract_strided_slice %slice3A_29 {offsets = [6, 0], sizes = [1, 2048], strides = [1, 1]} : vector<8x2048xf32> to vector<1x2048xf32>
    %slice3A_112 = vector.extract_strided_slice %add3A_44 {offsets = [6, 0], sizes = [1, 2048], strides = [1, 1]} : vector<8x2048xf32> to vector<1x2048xf32>
    %slice3A_113 = vector.extract_strided_slice %sub3A_47 {offsets = [6, 0], sizes = [1, 2048], strides = [1, 1]} : vector<8x2048xf32> to vector<1x2048xf32>
    %slice3A_114 = vector.extract_strided_slice %slice3A_32 {offsets = [6, 0], sizes = [1, 2048], strides = [1, 1]} : vector<8x2048xf32> to vector<1x2048xf32>
    %slice3A_115 = vector.extract_strided_slice %add3A_50 {offsets = [6, 0], sizes = [1, 2048], strides = [1, 1]} : vector<8x2048xf32> to vector<1x2048xf32>
    %slice3A_116 = vector.extract_strided_slice %sub3A_53 {offsets = [6, 0], sizes = [1, 2048], strides = [1, 1]} : vector<8x2048xf32> to vector<1x2048xf32>
    %slice3A_117 = vector.extract_strided_slice %slice3A_26 {offsets = [7, 0], sizes = [1, 2048], strides = [1, 1]} : vector<8x2048xf32> to vector<1x2048xf32>
    %slice3A_118 = vector.extract_strided_slice %add3A_39 {offsets = [7, 0], sizes = [1, 2048], strides = [1, 1]} : vector<8x2048xf32> to vector<1x2048xf32>
    %slice3A_119 = vector.extract_strided_slice %sub3A {offsets = [7, 0], sizes = [1, 2048], strides = [1, 1]} : vector<8x2048xf32> to vector<1x2048xf32>
    %slice3A_120 = vector.extract_strided_slice %slice3A_29 {offsets = [7, 0], sizes = [1, 2048], strides = [1, 1]} : vector<8x2048xf32> to vector<1x2048xf32>
    %slice3A_121 = vector.extract_strided_slice %add3A_44 {offsets = [7, 0], sizes = [1, 2048], strides = [1, 1]} : vector<8x2048xf32> to vector<1x2048xf32>
    %slice3A_122 = vector.extract_strided_slice %sub3A_47 {offsets = [7, 0], sizes = [1, 2048], strides = [1, 1]} : vector<8x2048xf32> to vector<1x2048xf32>
    %slice3A_123 = vector.extract_strided_slice %slice3A_32 {offsets = [7, 0], sizes = [1, 2048], strides = [1, 1]} : vector<8x2048xf32> to vector<1x2048xf32>
    %slice3A_124 = vector.extract_strided_slice %add3A_50 {offsets = [7, 0], sizes = [1, 2048], strides = [1, 1]} : vector<8x2048xf32> to vector<1x2048xf32>
    %slice3A_125 = vector.extract_strided_slice %sub3A_53 {offsets = [7, 0], sizes = [1, 2048], strides = [1, 1]} : vector<8x2048xf32> to vector<1x2048xf32>
    %slice3A_126 = vector.extract_strided_slice %slice3A_35 {offsets = [0, 0], sizes = [1, 2048], strides = [1, 1]} : vector<8x2048xf32> to vector<1x2048xf32>
    %slice3A_127 = vector.extract_strided_slice %slice3A_36 {offsets = [0, 0], sizes = [1, 2048], strides = [1, 1]} : vector<8x2048xf32> to vector<1x2048xf32>
    %slice3A_128 = vector.extract_strided_slice %slice3A_37 {offsets = [0, 0], sizes = [1, 2048], strides = [1, 1]} : vector<8x2048xf32> to vector<1x2048xf32>
    %slice3A_129 = vector.extract_strided_slice %slice3A_35 {offsets = [1, 0], sizes = [1, 2048], strides = [1, 1]} : vector<8x2048xf32> to vector<1x2048xf32>
    %slice3A_130 = vector.extract_strided_slice %slice3A_36 {offsets = [1, 0], sizes = [1, 2048], strides = [1, 1]} : vector<8x2048xf32> to vector<1x2048xf32>
    %slice3A_131 = vector.extract_strided_slice %slice3A_37 {offsets = [1, 0], sizes = [1, 2048], strides = [1, 1]} : vector<8x2048xf32> to vector<1x2048xf32>
    %slice3A_132 = vector.extract_strided_slice %slice3A_35 {offsets = [2, 0], sizes = [1, 2048], strides = [1, 1]} : vector<8x2048xf32> to vector<1x2048xf32>
    %slice3A_133 = vector.extract_strided_slice %slice3A_36 {offsets = [2, 0], sizes = [1, 2048], strides = [1, 1]} : vector<8x2048xf32> to vector<1x2048xf32>
    %slice3A_134 = vector.extract_strided_slice %slice3A_37 {offsets = [2, 0], sizes = [1, 2048], strides = [1, 1]} : vector<8x2048xf32> to vector<1x2048xf32>
    %slice3A_135 = vector.extract_strided_slice %slice3A_35 {offsets = [3, 0], sizes = [1, 2048], strides = [1, 1]} : vector<8x2048xf32> to vector<1x2048xf32>
    %slice3A_136 = vector.extract_strided_slice %slice3A_36 {offsets = [3, 0], sizes = [1, 2048], strides = [1, 1]} : vector<8x2048xf32> to vector<1x2048xf32>
    %slice3A_137 = vector.extract_strided_slice %slice3A_37 {offsets = [3, 0], sizes = [1, 2048], strides = [1, 1]} : vector<8x2048xf32> to vector<1x2048xf32>
    %slice3A_138 = vector.extract_strided_slice %slice3A_35 {offsets = [4, 0], sizes = [1, 2048], strides = [1, 1]} : vector<8x2048xf32> to vector<1x2048xf32>
    %slice3A_139 = vector.extract_strided_slice %slice3A_36 {offsets = [4, 0], sizes = [1, 2048], strides = [1, 1]} : vector<8x2048xf32> to vector<1x2048xf32>
    %slice3A_140 = vector.extract_strided_slice %slice3A_37 {offsets = [4, 0], sizes = [1, 2048], strides = [1, 1]} : vector<8x2048xf32> to vector<1x2048xf32>
    %slice3A_141 = vector.extract_strided_slice %slice3A_35 {offsets = [5, 0], sizes = [1, 2048], strides = [1, 1]} : vector<8x2048xf32> to vector<1x2048xf32>
    %slice3A_142 = vector.extract_strided_slice %slice3A_36 {offsets = [5, 0], sizes = [1, 2048], strides = [1, 1]} : vector<8x2048xf32> to vector<1x2048xf32>
    %slice3A_143 = vector.extract_strided_slice %slice3A_37 {offsets = [5, 0], sizes = [1, 2048], strides = [1, 1]} : vector<8x2048xf32> to vector<1x2048xf32>
    %slice3A_144 = vector.extract_strided_slice %slice3A_35 {offsets = [6, 0], sizes = [1, 2048], strides = [1, 1]} : vector<8x2048xf32> to vector<1x2048xf32>
    %slice3A_145 = vector.extract_strided_slice %slice3A_36 {offsets = [6, 0], sizes = [1, 2048], strides = [1, 1]} : vector<8x2048xf32> to vector<1x2048xf32>
    %slice3A_146 = vector.extract_strided_slice %slice3A_37 {offsets = [6, 0], sizes = [1, 2048], strides = [1, 1]} : vector<8x2048xf32> to vector<1x2048xf32>
    %slice3A_147 = vector.extract_strided_slice %slice3A_35 {offsets = [7, 0], sizes = [1, 2048], strides = [1, 1]} : vector<8x2048xf32> to vector<1x2048xf32>
    %slice3A_148 = vector.extract_strided_slice %slice3A_36 {offsets = [7, 0], sizes = [1, 2048], strides = [1, 1]} : vector<8x2048xf32> to vector<1x2048xf32>
    %slice3A_149 = vector.extract_strided_slice %slice3A_37 {offsets = [7, 0], sizes = [1, 2048], strides = [1, 1]} : vector<8x2048xf32> to vector<1x2048xf32>
    %mul3A_150 = arith.mulf %slice3A_90, %slice3A_99 : vector<1x2048xf32>
    %mul3A_151 = arith.mulf %slice3A_91, %slice3A_102 : vector<1x2048xf32>
    %add3A_152 = arith.addf %mul3A_150, %mul3A_151 : vector<1x2048xf32>
    %mul3A_153 = arith.mulf %slice3A_92, %slice3A_105 : vector<1x2048xf32>
    %add3A_154 = arith.addf %add3A_152, %mul3A_153 : vector<1x2048xf32>
    %mul3A_155 = arith.mulf %slice3A_90, %slice3A_100 : vector<1x2048xf32>
    %mul3A_156 = arith.mulf %slice3A_91, %slice3A_103 : vector<1x2048xf32>
    %add3A_157 = arith.addf %mul3A_155, %mul3A_156 : vector<1x2048xf32>
    %mul3A_158 = arith.mulf %slice3A_92, %slice3A_106 : vector<1x2048xf32>
    %add3A_159 = arith.addf %add3A_157, %mul3A_158 : vector<1x2048xf32>
    %mul3A_160 = arith.mulf %slice3A_90, %slice3A_101 : vector<1x2048xf32>
    %mul3A_161 = arith.mulf %slice3A_91, %slice3A_104 : vector<1x2048xf32>
    %add3A_162 = arith.addf %mul3A_160, %mul3A_161 : vector<1x2048xf32>
    %mul3A_163 = arith.mulf %slice3A_92, %slice3A_107 : vector<1x2048xf32>
    %add3A_164 = arith.addf %add3A_162, %mul3A_163 : vector<1x2048xf32>
    %mul3A_165 = arith.mulf %slice3A_93, %slice3A_99 : vector<1x2048xf32>
    %mul3A_166 = arith.mulf %slice3A_94, %slice3A_102 : vector<1x2048xf32>
    %add3A_167 = arith.addf %mul3A_165, %mul3A_166 : vector<1x2048xf32>
    %mul3A_168 = arith.mulf %slice3A_95, %slice3A_105 : vector<1x2048xf32>
    %add3A_169 = arith.addf %add3A_167, %mul3A_168 : vector<1x2048xf32>
    %mul3A_170 = arith.mulf %slice3A_93, %slice3A_100 : vector<1x2048xf32>
    %mul3A_171 = arith.mulf %slice3A_94, %slice3A_103 : vector<1x2048xf32>
    %add3A_172 = arith.addf %mul3A_170, %mul3A_171 : vector<1x2048xf32>
    %mul3A_173 = arith.mulf %slice3A_95, %slice3A_106 : vector<1x2048xf32>
    %add3A_174 = arith.addf %add3A_172, %mul3A_173 : vector<1x2048xf32>
    %mul3A_175 = arith.mulf %slice3A_93, %slice3A_101 : vector<1x2048xf32>
    %mul3A_176 = arith.mulf %slice3A_94, %slice3A_104 : vector<1x2048xf32>
    %add3A_177 = arith.addf %mul3A_175, %mul3A_176 : vector<1x2048xf32>
    %mul3A_178 = arith.mulf %slice3A_95, %slice3A_107 : vector<1x2048xf32>
    %add3A_179 = arith.addf %add3A_177, %mul3A_178 : vector<1x2048xf32>
    %mul3A_180 = arith.mulf %slice3A_96, %slice3A_99 : vector<1x2048xf32>
    %mul3A_181 = arith.mulf %slice3A_97, %slice3A_102 : vector<1x2048xf32>
    %add3A_182 = arith.addf %mul3A_180, %mul3A_181 : vector<1x2048xf32>
    %mul3A_183 = arith.mulf %slice3A_98, %slice3A_105 : vector<1x2048xf32>
    %add3A_184 = arith.addf %add3A_182, %mul3A_183 : vector<1x2048xf32>
    %mul3A_185 = arith.mulf %slice3A_96, %slice3A_100 : vector<1x2048xf32>
    %mul3A_186 = arith.mulf %slice3A_97, %slice3A_103 : vector<1x2048xf32>
    %add3A_187 = arith.addf %mul3A_185, %mul3A_186 : vector<1x2048xf32>
    %mul3A_188 = arith.mulf %slice3A_98, %slice3A_106 : vector<1x2048xf32>
    %add3A_189 = arith.addf %add3A_187, %mul3A_188 : vector<1x2048xf32>
    %mul3A_190 = arith.mulf %slice3A_96, %slice3A_101 : vector<1x2048xf32>
    %mul3A_191 = arith.mulf %slice3A_97, %slice3A_104 : vector<1x2048xf32>
    %add3A_192 = arith.addf %mul3A_190, %mul3A_191 : vector<1x2048xf32>
    %mul3A_193 = arith.mulf %slice3A_98, %slice3A_107 : vector<1x2048xf32>
    %add3A_194 = arith.addf %add3A_192, %mul3A_193 : vector<1x2048xf32>
    %mul3A_195 = arith.mulf %slice3A_90, %slice3A_141 : vector<1x2048xf32>
    %mul3A_196 = arith.mulf %slice3A_91, %slice3A_142 : vector<1x2048xf32>
    %add3A_197 = arith.addf %mul3A_195, %mul3A_196 : vector<1x2048xf32>
    %mul3A_198 = arith.mulf %slice3A_92, %slice3A_143 : vector<1x2048xf32>
    %add3A_199 = arith.addf %add3A_197, %mul3A_198 : vector<1x2048xf32>
    %add3A_200 = arith.addf %add3A_199, %slice3A_138 : vector<1x2048xf32>
    %mul3A_201 = arith.mulf %slice3A_93, %slice3A_141 : vector<1x2048xf32>
    %mul3A_202 = arith.mulf %slice3A_94, %slice3A_142 : vector<1x2048xf32>
    %add3A_203 = arith.addf %mul3A_201, %mul3A_202 : vector<1x2048xf32>
    %mul3A_204 = arith.mulf %slice3A_95, %slice3A_143 : vector<1x2048xf32>
    %add3A_205 = arith.addf %add3A_203, %mul3A_204 : vector<1x2048xf32>
    %add3A_206 = arith.addf %add3A_205, %slice3A_139 : vector<1x2048xf32>
    %mul3A_207 = arith.mulf %slice3A_96, %slice3A_141 : vector<1x2048xf32>
    %mul3A_208 = arith.mulf %slice3A_97, %slice3A_142 : vector<1x2048xf32>
    %add3A_209 = arith.addf %mul3A_207, %mul3A_208 : vector<1x2048xf32>
    %mul3A_210 = arith.mulf %slice3A_98, %slice3A_143 : vector<1x2048xf32>
    %add3A_211 = arith.addf %add3A_209, %mul3A_210 : vector<1x2048xf32>
    %add3A_212 = arith.addf %add3A_211, %slice3A_140 : vector<1x2048xf32>
    %mul3A_213 = arith.mulf %add3A_154, %slice3A_108 : vector<1x2048xf32>
    %mul3A_214 = arith.mulf %add3A_159, %slice3A_111 : vector<1x2048xf32>
    %add3A_215 = arith.addf %mul3A_213, %mul3A_214 : vector<1x2048xf32>
    %mul3A_216 = arith.mulf %add3A_164, %slice3A_114 : vector<1x2048xf32>
    %add3A_217 = arith.addf %add3A_215, %mul3A_216 : vector<1x2048xf32>
    %mul3A_218 = arith.mulf %add3A_154, %slice3A_109 : vector<1x2048xf32>
    %mul3A_219 = arith.mulf %add3A_159, %slice3A_112 : vector<1x2048xf32>
    %add3A_220 = arith.addf %mul3A_218, %mul3A_219 : vector<1x2048xf32>
    %mul3A_221 = arith.mulf %add3A_164, %slice3A_115 : vector<1x2048xf32>
    %add3A_222 = arith.addf %add3A_220, %mul3A_221 : vector<1x2048xf32>
    %mul3A_223 = arith.mulf %add3A_154, %slice3A_110 : vector<1x2048xf32>
    %mul3A_224 = arith.mulf %add3A_159, %slice3A_113 : vector<1x2048xf32>
    %add3A_225 = arith.addf %mul3A_223, %mul3A_224 : vector<1x2048xf32>
    %mul3A_226 = arith.mulf %add3A_164, %slice3A_116 : vector<1x2048xf32>
    %add3A_227 = arith.addf %add3A_225, %mul3A_226 : vector<1x2048xf32>
    %mul3A_228 = arith.mulf %add3A_169, %slice3A_108 : vector<1x2048xf32>
    %mul3A_229 = arith.mulf %add3A_174, %slice3A_111 : vector<1x2048xf32>
    %add3A_230 = arith.addf %mul3A_228, %mul3A_229 : vector<1x2048xf32>
    %mul3A_231 = arith.mulf %add3A_179, %slice3A_114 : vector<1x2048xf32>
    %add3A_232 = arith.addf %add3A_230, %mul3A_231 : vector<1x2048xf32>
    %mul3A_233 = arith.mulf %add3A_169, %slice3A_109 : vector<1x2048xf32>
    %mul3A_234 = arith.mulf %add3A_174, %slice3A_112 : vector<1x2048xf32>
    %add3A_235 = arith.addf %mul3A_233, %mul3A_234 : vector<1x2048xf32>
    %mul3A_236 = arith.mulf %add3A_179, %slice3A_115 : vector<1x2048xf32>
    %add3A_237 = arith.addf %add3A_235, %mul3A_236 : vector<1x2048xf32>
    %mul3A_238 = arith.mulf %add3A_169, %slice3A_110 : vector<1x2048xf32>
    %mul3A_239 = arith.mulf %add3A_174, %slice3A_113 : vector<1x2048xf32>
    %add3A_240 = arith.addf %mul3A_238, %mul3A_239 : vector<1x2048xf32>
    %mul3A_241 = arith.mulf %add3A_179, %slice3A_116 : vector<1x2048xf32>
    %add3A_242 = arith.addf %add3A_240, %mul3A_241 : vector<1x2048xf32>
    %mul3A_243 = arith.mulf %add3A_184, %slice3A_108 : vector<1x2048xf32>
    %mul3A_244 = arith.mulf %add3A_189, %slice3A_111 : vector<1x2048xf32>
    %add3A_245 = arith.addf %mul3A_243, %mul3A_244 : vector<1x2048xf32>
    %mul3A_246 = arith.mulf %add3A_194, %slice3A_114 : vector<1x2048xf32>
    %add3A_247 = arith.addf %add3A_245, %mul3A_246 : vector<1x2048xf32>
    %mul3A_248 = arith.mulf %add3A_184, %slice3A_109 : vector<1x2048xf32>
    %mul3A_249 = arith.mulf %add3A_189, %slice3A_112 : vector<1x2048xf32>
    %add3A_250 = arith.addf %mul3A_248, %mul3A_249 : vector<1x2048xf32>
    %mul3A_251 = arith.mulf %add3A_194, %slice3A_115 : vector<1x2048xf32>
    %add3A_252 = arith.addf %add3A_250, %mul3A_251 : vector<1x2048xf32>
    %mul3A_253 = arith.mulf %add3A_184, %slice3A_110 : vector<1x2048xf32>
    %mul3A_254 = arith.mulf %add3A_189, %slice3A_113 : vector<1x2048xf32>
    %add3A_255 = arith.addf %mul3A_253, %mul3A_254 : vector<1x2048xf32>
    %mul3A_256 = arith.mulf %add3A_194, %slice3A_116 : vector<1x2048xf32>
    %add3A_257 = arith.addf %add3A_255, %mul3A_256 : vector<1x2048xf32>
    %mul3A_258 = arith.mulf %add3A_154, %slice3A_144 : vector<1x2048xf32>
    %mul3A_259 = arith.mulf %add3A_159, %slice3A_145 : vector<1x2048xf32>
    %add3A_260 = arith.addf %mul3A_258, %mul3A_259 : vector<1x2048xf32>
    %mul3A_261 = arith.mulf %add3A_164, %slice3A_146 : vector<1x2048xf32>
    %add3A_262 = arith.addf %add3A_260, %mul3A_261 : vector<1x2048xf32>
    %add3A_263 = arith.addf %add3A_262, %add3A_200 : vector<1x2048xf32>
    %mul3A_264 = arith.mulf %add3A_169, %slice3A_144 : vector<1x2048xf32>
    %mul3A_265 = arith.mulf %add3A_174, %slice3A_145 : vector<1x2048xf32>
    %add3A_266 = arith.addf %mul3A_264, %mul3A_265 : vector<1x2048xf32>
    %mul3A_267 = arith.mulf %add3A_179, %slice3A_146 : vector<1x2048xf32>
    %add3A_268 = arith.addf %add3A_266, %mul3A_267 : vector<1x2048xf32>
    %add3A_269 = arith.addf %add3A_268, %add3A_206 : vector<1x2048xf32>
    %mul3A_270 = arith.mulf %add3A_184, %slice3A_144 : vector<1x2048xf32>
    %mul3A_271 = arith.mulf %add3A_189, %slice3A_145 : vector<1x2048xf32>
    %add3A_272 = arith.addf %mul3A_270, %mul3A_271 : vector<1x2048xf32>
    %mul3A_273 = arith.mulf %add3A_194, %slice3A_146 : vector<1x2048xf32>
    %add3A_274 = arith.addf %add3A_272, %mul3A_273 : vector<1x2048xf32>
    %add3A_275 = arith.addf %add3A_274, %add3A_212 : vector<1x2048xf32>
    %mul3A_276 = arith.mulf %add3A_217, %slice3A_117 : vector<1x2048xf32>
    %mul3A_277 = arith.mulf %add3A_222, %slice3A_120 : vector<1x2048xf32>
    %add3A_278 = arith.addf %mul3A_276, %mul3A_277 : vector<1x2048xf32>
    %mul3A_279 = arith.mulf %add3A_227, %slice3A_123 : vector<1x2048xf32>
    %add3A_280 = arith.addf %add3A_278, %mul3A_279 : vector<1x2048xf32>
    %mul3A_281 = arith.mulf %add3A_217, %slice3A_118 : vector<1x2048xf32>
    %mul3A_282 = arith.mulf %add3A_222, %slice3A_121 : vector<1x2048xf32>
    %add3A_283 = arith.addf %mul3A_281, %mul3A_282 : vector<1x2048xf32>
    %mul3A_284 = arith.mulf %add3A_227, %slice3A_124 : vector<1x2048xf32>
    %add3A_285 = arith.addf %add3A_283, %mul3A_284 : vector<1x2048xf32>
    %mul3A_286 = arith.mulf %add3A_217, %slice3A_119 : vector<1x2048xf32>
    %mul3A_287 = arith.mulf %add3A_222, %slice3A_122 : vector<1x2048xf32>
    %add3A_288 = arith.addf %mul3A_286, %mul3A_287 : vector<1x2048xf32>
    %mul3A_289 = arith.mulf %add3A_227, %slice3A_125 : vector<1x2048xf32>
    %add3A_290 = arith.addf %add3A_288, %mul3A_289 : vector<1x2048xf32>
    %mul3A_291 = arith.mulf %add3A_232, %slice3A_117 : vector<1x2048xf32>
    %mul3A_292 = arith.mulf %add3A_237, %slice3A_120 : vector<1x2048xf32>
    %add3A_293 = arith.addf %mul3A_291, %mul3A_292 : vector<1x2048xf32>
    %mul3A_294 = arith.mulf %add3A_242, %slice3A_123 : vector<1x2048xf32>
    %add3A_295 = arith.addf %add3A_293, %mul3A_294 : vector<1x2048xf32>
    %mul3A_296 = arith.mulf %add3A_232, %slice3A_118 : vector<1x2048xf32>
    %mul3A_297 = arith.mulf %add3A_237, %slice3A_121 : vector<1x2048xf32>
    %add3A_298 = arith.addf %mul3A_296, %mul3A_297 : vector<1x2048xf32>
    %mul3A_299 = arith.mulf %add3A_242, %slice3A_124 : vector<1x2048xf32>
    %add3A_300 = arith.addf %add3A_298, %mul3A_299 : vector<1x2048xf32>
    %mul3A_301 = arith.mulf %add3A_232, %slice3A_119 : vector<1x2048xf32>
    %mul3A_302 = arith.mulf %add3A_237, %slice3A_122 : vector<1x2048xf32>
    %add3A_303 = arith.addf %mul3A_301, %mul3A_302 : vector<1x2048xf32>
    %mul3A_304 = arith.mulf %add3A_242, %slice3A_125 : vector<1x2048xf32>
    %add3A_305 = arith.addf %add3A_303, %mul3A_304 : vector<1x2048xf32>
    %mul3A_306 = arith.mulf %add3A_247, %slice3A_117 : vector<1x2048xf32>
    %mul3A_307 = arith.mulf %add3A_252, %slice3A_120 : vector<1x2048xf32>
    %add3A_308 = arith.addf %mul3A_306, %mul3A_307 : vector<1x2048xf32>
    %mul3A_309 = arith.mulf %add3A_257, %slice3A_123 : vector<1x2048xf32>
    %add3A_310 = arith.addf %add3A_308, %mul3A_309 : vector<1x2048xf32>
    %mul3A_311 = arith.mulf %add3A_247, %slice3A_118 : vector<1x2048xf32>
    %mul3A_312 = arith.mulf %add3A_252, %slice3A_121 : vector<1x2048xf32>
    %add3A_313 = arith.addf %mul3A_311, %mul3A_312 : vector<1x2048xf32>
    %mul3A_314 = arith.mulf %add3A_257, %slice3A_124 : vector<1x2048xf32>
    %add3A_315 = arith.addf %add3A_313, %mul3A_314 : vector<1x2048xf32>
    %mul3A_316 = arith.mulf %add3A_247, %slice3A_119 : vector<1x2048xf32>
    %mul3A_317 = arith.mulf %add3A_252, %slice3A_122 : vector<1x2048xf32>
    %add3A_318 = arith.addf %mul3A_316, %mul3A_317 : vector<1x2048xf32>
    %mul3A_319 = arith.mulf %add3A_257, %slice3A_125 : vector<1x2048xf32>
    %add3A_320 = arith.addf %add3A_318, %mul3A_319 : vector<1x2048xf32>
    %mul3A_321 = arith.mulf %add3A_217, %slice3A_147 : vector<1x2048xf32>
    %mul3A_322 = arith.mulf %add3A_222, %slice3A_148 : vector<1x2048xf32>
    %add3A_323 = arith.addf %mul3A_321, %mul3A_322 : vector<1x2048xf32>
    %mul3A_324 = arith.mulf %add3A_227, %slice3A_149 : vector<1x2048xf32>
    %add3A_325 = arith.addf %add3A_323, %mul3A_324 : vector<1x2048xf32>
    %add3A_326 = arith.addf %add3A_325, %add3A_263 : vector<1x2048xf32>
    %mul3A_327 = arith.mulf %add3A_232, %slice3A_147 : vector<1x2048xf32>
    %mul3A_328 = arith.mulf %add3A_237, %slice3A_148 : vector<1x2048xf32>
    %add3A_329 = arith.addf %mul3A_327, %mul3A_328 : vector<1x2048xf32>
    %mul3A_330 = arith.mulf %add3A_242, %slice3A_149 : vector<1x2048xf32>
    %add3A_331 = arith.addf %add3A_329, %mul3A_330 : vector<1x2048xf32>
    %add3A_332 = arith.addf %add3A_331, %add3A_269 : vector<1x2048xf32>
    %mul3A_333 = arith.mulf %add3A_247, %slice3A_147 : vector<1x2048xf32>
    %mul3A_334 = arith.mulf %add3A_252, %slice3A_148 : vector<1x2048xf32>
    %add3A_335 = arith.addf %mul3A_333, %mul3A_334 : vector<1x2048xf32>
    %mul3A_336 = arith.mulf %add3A_257, %slice3A_149 : vector<1x2048xf32>
    %add3A_337 = arith.addf %add3A_335, %mul3A_336 : vector<1x2048xf32>
    %add3A_338 = arith.addf %add3A_337, %add3A_275 : vector<1x2048xf32>
    %slice3A_339 = vector.extract_strided_slice %add3A {offsets = [96, 0], sizes = [37, 2048], strides = [1, 1]} : vector<256x2048xf32> to vector<37x2048xf32>
    %slice3A_340 = vector.extract_strided_slice %add3A {offsets = [136, 0], sizes = [37, 2048], strides = [1, 1]} : vector<256x2048xf32> to vector<37x2048xf32>
    %slice3A_341 = vector.extract_strided_slice %add3A {offsets = [176, 0], sizes = [37, 2048], strides = [1, 1]} : vector<256x2048xf32> to vector<37x2048xf32>
    %slice3A_342 = vector.extract_strided_slice %add3A {offsets = [216, 0], sizes = [37, 2048], strides = [1, 1]} : vector<256x2048xf32> to vector<37x2048xf32>
    %ge3A = arith.constant 4.000000e+00 : f32
    %ge3A_343 = vector.broadcast %ge3A : f32 to vector<37x2048xf32>
    %ge3A_344 = arith.cmpf oge, %slice3A_342, %ge3A_343 : vector<37x2048xf32>
    %jit3A = arith.constant 4.000000e+00 : f32
    %jit3A_345 = arith.constant 0.000000e+00 : f32
    %broadcast_in_dim3A_346 = vector.broadcast %jit3A : f32 to vector<37x2048xf32>
    %broadcast_in_dim3A_347 = vector.broadcast %jit3A_345 : f32 to vector<37x2048xf32>
    %select_n3A = arith.select %ge3A_344, %broadcast_in_dim3A_346, %broadcast_in_dim3A_347 : vector<37x2048xi1>, vector<37x2048xf32>
    %sub3A_348 = arith.subf %slice3A_342, %select_n3A : vector<37x2048xf32>
    %ge3A_349 = arith.constant 2.000000e+00 : f32
    %ge3A_350 = vector.broadcast %ge3A_349 : f32 to vector<37x2048xf32>
    %ge3A_351 = arith.cmpf oge, %sub3A_348, %ge3A_350 : vector<37x2048xf32>
    %jit3A_352 = arith.constant 2.000000e+00 : f32
    %jit3A_353 = arith.constant 0.000000e+00 : f32
    %broadcast_in_dim3A_354 = vector.broadcast %jit3A_352 : f32 to vector<37x2048xf32>
    %broadcast_in_dim3A_355 = vector.broadcast %jit3A_353 : f32 to vector<37x2048xf32>
    %select_n3A_356 = arith.select %ge3A_351, %broadcast_in_dim3A_354, %broadcast_in_dim3A_355 : vector<37x2048xi1>, vector<37x2048xf32>
    %sub3A_357 = arith.subf %sub3A_348, %select_n3A_356 : vector<37x2048xf32>
    %ge3A_358 = arith.constant 1.000000e+00 : f32
    %ge3A_359 = vector.broadcast %ge3A_358 : f32 to vector<37x2048xf32>
    %ge3A_360 = arith.cmpf oge, %sub3A_357, %ge3A_359 : vector<37x2048xf32>
    %broadcast_in_dim3A_361 = vector.shape_cast %slice3A_63 : vector<1x2048xf32> to vector<1x2048xf32>
    %broadcast_in_dim3A_362 = vector.broadcast %broadcast_in_dim3A_361 : vector<1x2048xf32> to vector<37x2048xf32>
    %broadcast_in_dim3A_363 = vector.shape_cast %slice3A_54 : vector<1x2048xf32> to vector<1x2048xf32>
    %broadcast_in_dim3A_364 = vector.broadcast %broadcast_in_dim3A_363 : vector<1x2048xf32> to vector<37x2048xf32>
    %select_n3A_365 = arith.select %ge3A_360, %broadcast_in_dim3A_362, %broadcast_in_dim3A_364 : vector<37x2048xi1>, vector<37x2048xf32>
    %broadcast_in_dim3A_366 = vector.shape_cast %slice3A_81 : vector<1x2048xf32> to vector<1x2048xf32>
    %broadcast_in_dim3A_367 = vector.broadcast %broadcast_in_dim3A_366 : vector<1x2048xf32> to vector<37x2048xf32>
    %broadcast_in_dim3A_368 = vector.shape_cast %slice3A_72 : vector<1x2048xf32> to vector<1x2048xf32>
    %broadcast_in_dim3A_369 = vector.broadcast %broadcast_in_dim3A_368 : vector<1x2048xf32> to vector<37x2048xf32>
    %select_n3A_370 = arith.select %ge3A_360, %broadcast_in_dim3A_367, %broadcast_in_dim3A_369 : vector<37x2048xi1>, vector<37x2048xf32>
    %broadcast_in_dim3A_371 = vector.shape_cast %add3A_154 : vector<1x2048xf32> to vector<1x2048xf32>
    %broadcast_in_dim3A_372 = vector.broadcast %broadcast_in_dim3A_371 : vector<1x2048xf32> to vector<37x2048xf32>
    %broadcast_in_dim3A_373 = vector.shape_cast %slice3A_90 : vector<1x2048xf32> to vector<1x2048xf32>
    %broadcast_in_dim3A_374 = vector.broadcast %broadcast_in_dim3A_373 : vector<1x2048xf32> to vector<37x2048xf32>
    %select_n3A_375 = arith.select %ge3A_360, %broadcast_in_dim3A_372, %broadcast_in_dim3A_374 : vector<37x2048xi1>, vector<37x2048xf32>
    %broadcast_in_dim3A_376 = vector.shape_cast %add3A_280 : vector<1x2048xf32> to vector<1x2048xf32>
    %broadcast_in_dim3A_377 = vector.broadcast %broadcast_in_dim3A_376 : vector<1x2048xf32> to vector<37x2048xf32>
    %broadcast_in_dim3A_378 = vector.shape_cast %add3A_217 : vector<1x2048xf32> to vector<1x2048xf32>
    %broadcast_in_dim3A_379 = vector.broadcast %broadcast_in_dim3A_378 : vector<1x2048xf32> to vector<37x2048xf32>
    %select_n3A_380 = arith.select %ge3A_360, %broadcast_in_dim3A_377, %broadcast_in_dim3A_379 : vector<37x2048xi1>, vector<37x2048xf32>
    %select_n3A_381 = arith.select %ge3A_351, %select_n3A_370, %select_n3A_365 : vector<37x2048xi1>, vector<37x2048xf32>
    %select_n3A_382 = arith.select %ge3A_351, %select_n3A_380, %select_n3A_375 : vector<37x2048xi1>, vector<37x2048xf32>
    %select_n3A_383 = arith.select %ge3A_344, %select_n3A_382, %select_n3A_381 : vector<37x2048xi1>, vector<37x2048xf32>
    %broadcast_in_dim3A_384 = vector.shape_cast %slice3A_64 : vector<1x2048xf32> to vector<1x2048xf32>
    %broadcast_in_dim3A_385 = vector.broadcast %broadcast_in_dim3A_384 : vector<1x2048xf32> to vector<37x2048xf32>
    %broadcast_in_dim3A_386 = vector.shape_cast %slice3A_55 : vector<1x2048xf32> to vector<1x2048xf32>
    %broadcast_in_dim3A_387 = vector.broadcast %broadcast_in_dim3A_386 : vector<1x2048xf32> to vector<37x2048xf32>
    %select_n3A_388 = arith.select %ge3A_360, %broadcast_in_dim3A_385, %broadcast_in_dim3A_387 : vector<37x2048xi1>, vector<37x2048xf32>
    %broadcast_in_dim3A_389 = vector.shape_cast %slice3A_82 : vector<1x2048xf32> to vector<1x2048xf32>
    %broadcast_in_dim3A_390 = vector.broadcast %broadcast_in_dim3A_389 : vector<1x2048xf32> to vector<37x2048xf32>
    %broadcast_in_dim3A_391 = vector.shape_cast %slice3A_73 : vector<1x2048xf32> to vector<1x2048xf32>
    %broadcast_in_dim3A_392 = vector.broadcast %broadcast_in_dim3A_391 : vector<1x2048xf32> to vector<37x2048xf32>
    %select_n3A_393 = arith.select %ge3A_360, %broadcast_in_dim3A_390, %broadcast_in_dim3A_392 : vector<37x2048xi1>, vector<37x2048xf32>
    %broadcast_in_dim3A_394 = vector.shape_cast %add3A_159 : vector<1x2048xf32> to vector<1x2048xf32>
    %broadcast_in_dim3A_395 = vector.broadcast %broadcast_in_dim3A_394 : vector<1x2048xf32> to vector<37x2048xf32>
    %broadcast_in_dim3A_396 = vector.shape_cast %slice3A_91 : vector<1x2048xf32> to vector<1x2048xf32>
    %broadcast_in_dim3A_397 = vector.broadcast %broadcast_in_dim3A_396 : vector<1x2048xf32> to vector<37x2048xf32>
    %select_n3A_398 = arith.select %ge3A_360, %broadcast_in_dim3A_395, %broadcast_in_dim3A_397 : vector<37x2048xi1>, vector<37x2048xf32>
    %broadcast_in_dim3A_399 = vector.shape_cast %add3A_285 : vector<1x2048xf32> to vector<1x2048xf32>
    %broadcast_in_dim3A_400 = vector.broadcast %broadcast_in_dim3A_399 : vector<1x2048xf32> to vector<37x2048xf32>
    %broadcast_in_dim3A_401 = vector.shape_cast %add3A_222 : vector<1x2048xf32> to vector<1x2048xf32>
    %broadcast_in_dim3A_402 = vector.broadcast %broadcast_in_dim3A_401 : vector<1x2048xf32> to vector<37x2048xf32>
    %select_n3A_403 = arith.select %ge3A_360, %broadcast_in_dim3A_400, %broadcast_in_dim3A_402 : vector<37x2048xi1>, vector<37x2048xf32>
    %select_n3A_404 = arith.select %ge3A_351, %select_n3A_393, %select_n3A_388 : vector<37x2048xi1>, vector<37x2048xf32>
    %select_n3A_405 = arith.select %ge3A_351, %select_n3A_403, %select_n3A_398 : vector<37x2048xi1>, vector<37x2048xf32>
    %select_n3A_406 = arith.select %ge3A_344, %select_n3A_405, %select_n3A_404 : vector<37x2048xi1>, vector<37x2048xf32>
    %broadcast_in_dim3A_407 = vector.shape_cast %slice3A_65 : vector<1x2048xf32> to vector<1x2048xf32>
    %broadcast_in_dim3A_408 = vector.broadcast %broadcast_in_dim3A_407 : vector<1x2048xf32> to vector<37x2048xf32>
    %broadcast_in_dim3A_409 = vector.shape_cast %slice3A_56 : vector<1x2048xf32> to vector<1x2048xf32>
    %broadcast_in_dim3A_410 = vector.broadcast %broadcast_in_dim3A_409 : vector<1x2048xf32> to vector<37x2048xf32>
    %select_n3A_411 = arith.select %ge3A_360, %broadcast_in_dim3A_408, %broadcast_in_dim3A_410 : vector<37x2048xi1>, vector<37x2048xf32>
    %broadcast_in_dim3A_412 = vector.shape_cast %slice3A_83 : vector<1x2048xf32> to vector<1x2048xf32>
    %broadcast_in_dim3A_413 = vector.broadcast %broadcast_in_dim3A_412 : vector<1x2048xf32> to vector<37x2048xf32>
    %broadcast_in_dim3A_414 = vector.shape_cast %slice3A_74 : vector<1x2048xf32> to vector<1x2048xf32>
    %broadcast_in_dim3A_415 = vector.broadcast %broadcast_in_dim3A_414 : vector<1x2048xf32> to vector<37x2048xf32>
    %select_n3A_416 = arith.select %ge3A_360, %broadcast_in_dim3A_413, %broadcast_in_dim3A_415 : vector<37x2048xi1>, vector<37x2048xf32>
    %broadcast_in_dim3A_417 = vector.shape_cast %add3A_164 : vector<1x2048xf32> to vector<1x2048xf32>
    %broadcast_in_dim3A_418 = vector.broadcast %broadcast_in_dim3A_417 : vector<1x2048xf32> to vector<37x2048xf32>
    %broadcast_in_dim3A_419 = vector.shape_cast %slice3A_92 : vector<1x2048xf32> to vector<1x2048xf32>
    %broadcast_in_dim3A_420 = vector.broadcast %broadcast_in_dim3A_419 : vector<1x2048xf32> to vector<37x2048xf32>
    %select_n3A_421 = arith.select %ge3A_360, %broadcast_in_dim3A_418, %broadcast_in_dim3A_420 : vector<37x2048xi1>, vector<37x2048xf32>
    %broadcast_in_dim3A_422 = vector.shape_cast %add3A_290 : vector<1x2048xf32> to vector<1x2048xf32>
    %broadcast_in_dim3A_423 = vector.broadcast %broadcast_in_dim3A_422 : vector<1x2048xf32> to vector<37x2048xf32>
    %broadcast_in_dim3A_424 = vector.shape_cast %add3A_227 : vector<1x2048xf32> to vector<1x2048xf32>
    %broadcast_in_dim3A_425 = vector.broadcast %broadcast_in_dim3A_424 : vector<1x2048xf32> to vector<37x2048xf32>
    %select_n3A_426 = arith.select %ge3A_360, %broadcast_in_dim3A_423, %broadcast_in_dim3A_425 : vector<37x2048xi1>, vector<37x2048xf32>
    %select_n3A_427 = arith.select %ge3A_351, %select_n3A_416, %select_n3A_411 : vector<37x2048xi1>, vector<37x2048xf32>
    %select_n3A_428 = arith.select %ge3A_351, %select_n3A_426, %select_n3A_421 : vector<37x2048xi1>, vector<37x2048xf32>
    %select_n3A_429 = arith.select %ge3A_344, %select_n3A_428, %select_n3A_427 : vector<37x2048xi1>, vector<37x2048xf32>
    %broadcast_in_dim3A_430 = vector.shape_cast %slice3A_66 : vector<1x2048xf32> to vector<1x2048xf32>
    %broadcast_in_dim3A_431 = vector.broadcast %broadcast_in_dim3A_430 : vector<1x2048xf32> to vector<37x2048xf32>
    %broadcast_in_dim3A_432 = vector.shape_cast %slice3A_57 : vector<1x2048xf32> to vector<1x2048xf32>
    %broadcast_in_dim3A_433 = vector.broadcast %broadcast_in_dim3A_432 : vector<1x2048xf32> to vector<37x2048xf32>
    %select_n3A_434 = arith.select %ge3A_360, %broadcast_in_dim3A_431, %broadcast_in_dim3A_433 : vector<37x2048xi1>, vector<37x2048xf32>
    %broadcast_in_dim3A_435 = vector.shape_cast %slice3A_84 : vector<1x2048xf32> to vector<1x2048xf32>
    %broadcast_in_dim3A_436 = vector.broadcast %broadcast_in_dim3A_435 : vector<1x2048xf32> to vector<37x2048xf32>
    %broadcast_in_dim3A_437 = vector.shape_cast %slice3A_75 : vector<1x2048xf32> to vector<1x2048xf32>
    %broadcast_in_dim3A_438 = vector.broadcast %broadcast_in_dim3A_437 : vector<1x2048xf32> to vector<37x2048xf32>
    %select_n3A_439 = arith.select %ge3A_360, %broadcast_in_dim3A_436, %broadcast_in_dim3A_438 : vector<37x2048xi1>, vector<37x2048xf32>
    %broadcast_in_dim3A_440 = vector.shape_cast %add3A_169 : vector<1x2048xf32> to vector<1x2048xf32>
    %broadcast_in_dim3A_441 = vector.broadcast %broadcast_in_dim3A_440 : vector<1x2048xf32> to vector<37x2048xf32>
    %broadcast_in_dim3A_442 = vector.shape_cast %slice3A_93 : vector<1x2048xf32> to vector<1x2048xf32>
    %broadcast_in_dim3A_443 = vector.broadcast %broadcast_in_dim3A_442 : vector<1x2048xf32> to vector<37x2048xf32>
    %select_n3A_444 = arith.select %ge3A_360, %broadcast_in_dim3A_441, %broadcast_in_dim3A_443 : vector<37x2048xi1>, vector<37x2048xf32>
    %broadcast_in_dim3A_445 = vector.shape_cast %add3A_295 : vector<1x2048xf32> to vector<1x2048xf32>
    %broadcast_in_dim3A_446 = vector.broadcast %broadcast_in_dim3A_445 : vector<1x2048xf32> to vector<37x2048xf32>
    %broadcast_in_dim3A_447 = vector.shape_cast %add3A_232 : vector<1x2048xf32> to vector<1x2048xf32>
    %broadcast_in_dim3A_448 = vector.broadcast %broadcast_in_dim3A_447 : vector<1x2048xf32> to vector<37x2048xf32>
    %select_n3A_449 = arith.select %ge3A_360, %broadcast_in_dim3A_446, %broadcast_in_dim3A_448 : vector<37x2048xi1>, vector<37x2048xf32>
    %select_n3A_450 = arith.select %ge3A_351, %select_n3A_439, %select_n3A_434 : vector<37x2048xi1>, vector<37x2048xf32>
    %select_n3A_451 = arith.select %ge3A_351, %select_n3A_449, %select_n3A_444 : vector<37x2048xi1>, vector<37x2048xf32>
    %select_n3A_452 = arith.select %ge3A_344, %select_n3A_451, %select_n3A_450 : vector<37x2048xi1>, vector<37x2048xf32>
    %broadcast_in_dim3A_453 = vector.shape_cast %slice3A_67 : vector<1x2048xf32> to vector<1x2048xf32>
    %broadcast_in_dim3A_454 = vector.broadcast %broadcast_in_dim3A_453 : vector<1x2048xf32> to vector<37x2048xf32>
    %broadcast_in_dim3A_455 = vector.shape_cast %slice3A_58 : vector<1x2048xf32> to vector<1x2048xf32>
    %broadcast_in_dim3A_456 = vector.broadcast %broadcast_in_dim3A_455 : vector<1x2048xf32> to vector<37x2048xf32>
    %select_n3A_457 = arith.select %ge3A_360, %broadcast_in_dim3A_454, %broadcast_in_dim3A_456 : vector<37x2048xi1>, vector<37x2048xf32>
    %broadcast_in_dim3A_458 = vector.shape_cast %slice3A_85 : vector<1x2048xf32> to vector<1x2048xf32>
    %broadcast_in_dim3A_459 = vector.broadcast %broadcast_in_dim3A_458 : vector<1x2048xf32> to vector<37x2048xf32>
    %broadcast_in_dim3A_460 = vector.shape_cast %slice3A_76 : vector<1x2048xf32> to vector<1x2048xf32>
    %broadcast_in_dim3A_461 = vector.broadcast %broadcast_in_dim3A_460 : vector<1x2048xf32> to vector<37x2048xf32>
    %select_n3A_462 = arith.select %ge3A_360, %broadcast_in_dim3A_459, %broadcast_in_dim3A_461 : vector<37x2048xi1>, vector<37x2048xf32>
    %broadcast_in_dim3A_463 = vector.shape_cast %add3A_174 : vector<1x2048xf32> to vector<1x2048xf32>
    %broadcast_in_dim3A_464 = vector.broadcast %broadcast_in_dim3A_463 : vector<1x2048xf32> to vector<37x2048xf32>
    %broadcast_in_dim3A_465 = vector.shape_cast %slice3A_94 : vector<1x2048xf32> to vector<1x2048xf32>
    %broadcast_in_dim3A_466 = vector.broadcast %broadcast_in_dim3A_465 : vector<1x2048xf32> to vector<37x2048xf32>
    %select_n3A_467 = arith.select %ge3A_360, %broadcast_in_dim3A_464, %broadcast_in_dim3A_466 : vector<37x2048xi1>, vector<37x2048xf32>
    %broadcast_in_dim3A_468 = vector.shape_cast %add3A_300 : vector<1x2048xf32> to vector<1x2048xf32>
    %broadcast_in_dim3A_469 = vector.broadcast %broadcast_in_dim3A_468 : vector<1x2048xf32> to vector<37x2048xf32>
    %broadcast_in_dim3A_470 = vector.shape_cast %add3A_237 : vector<1x2048xf32> to vector<1x2048xf32>
    %broadcast_in_dim3A_471 = vector.broadcast %broadcast_in_dim3A_470 : vector<1x2048xf32> to vector<37x2048xf32>
    %select_n3A_472 = arith.select %ge3A_360, %broadcast_in_dim3A_469, %broadcast_in_dim3A_471 : vector<37x2048xi1>, vector<37x2048xf32>
    %select_n3A_473 = arith.select %ge3A_351, %select_n3A_462, %select_n3A_457 : vector<37x2048xi1>, vector<37x2048xf32>
    %select_n3A_474 = arith.select %ge3A_351, %select_n3A_472, %select_n3A_467 : vector<37x2048xi1>, vector<37x2048xf32>
    %select_n3A_475 = arith.select %ge3A_344, %select_n3A_474, %select_n3A_473 : vector<37x2048xi1>, vector<37x2048xf32>
    %broadcast_in_dim3A_476 = vector.shape_cast %slice3A_68 : vector<1x2048xf32> to vector<1x2048xf32>
    %broadcast_in_dim3A_477 = vector.broadcast %broadcast_in_dim3A_476 : vector<1x2048xf32> to vector<37x2048xf32>
    %broadcast_in_dim3A_478 = vector.shape_cast %slice3A_59 : vector<1x2048xf32> to vector<1x2048xf32>
    %broadcast_in_dim3A_479 = vector.broadcast %broadcast_in_dim3A_478 : vector<1x2048xf32> to vector<37x2048xf32>
    %select_n3A_480 = arith.select %ge3A_360, %broadcast_in_dim3A_477, %broadcast_in_dim3A_479 : vector<37x2048xi1>, vector<37x2048xf32>
    %broadcast_in_dim3A_481 = vector.shape_cast %slice3A_86 : vector<1x2048xf32> to vector<1x2048xf32>
    %broadcast_in_dim3A_482 = vector.broadcast %broadcast_in_dim3A_481 : vector<1x2048xf32> to vector<37x2048xf32>
    %broadcast_in_dim3A_483 = vector.shape_cast %slice3A_77 : vector<1x2048xf32> to vector<1x2048xf32>
    %broadcast_in_dim3A_484 = vector.broadcast %broadcast_in_dim3A_483 : vector<1x2048xf32> to vector<37x2048xf32>
    %select_n3A_485 = arith.select %ge3A_360, %broadcast_in_dim3A_482, %broadcast_in_dim3A_484 : vector<37x2048xi1>, vector<37x2048xf32>
    %broadcast_in_dim3A_486 = vector.shape_cast %add3A_179 : vector<1x2048xf32> to vector<1x2048xf32>
    %broadcast_in_dim3A_487 = vector.broadcast %broadcast_in_dim3A_486 : vector<1x2048xf32> to vector<37x2048xf32>
    %broadcast_in_dim3A_488 = vector.shape_cast %slice3A_95 : vector<1x2048xf32> to vector<1x2048xf32>
    %broadcast_in_dim3A_489 = vector.broadcast %broadcast_in_dim3A_488 : vector<1x2048xf32> to vector<37x2048xf32>
    %select_n3A_490 = arith.select %ge3A_360, %broadcast_in_dim3A_487, %broadcast_in_dim3A_489 : vector<37x2048xi1>, vector<37x2048xf32>
    %broadcast_in_dim3A_491 = vector.shape_cast %add3A_305 : vector<1x2048xf32> to vector<1x2048xf32>
    %broadcast_in_dim3A_492 = vector.broadcast %broadcast_in_dim3A_491 : vector<1x2048xf32> to vector<37x2048xf32>
    %broadcast_in_dim3A_493 = vector.shape_cast %add3A_242 : vector<1x2048xf32> to vector<1x2048xf32>
    %broadcast_in_dim3A_494 = vector.broadcast %broadcast_in_dim3A_493 : vector<1x2048xf32> to vector<37x2048xf32>
    %select_n3A_495 = arith.select %ge3A_360, %broadcast_in_dim3A_492, %broadcast_in_dim3A_494 : vector<37x2048xi1>, vector<37x2048xf32>
    %select_n3A_496 = arith.select %ge3A_351, %select_n3A_485, %select_n3A_480 : vector<37x2048xi1>, vector<37x2048xf32>
    %select_n3A_497 = arith.select %ge3A_351, %select_n3A_495, %select_n3A_490 : vector<37x2048xi1>, vector<37x2048xf32>
    %select_n3A_498 = arith.select %ge3A_344, %select_n3A_497, %select_n3A_496 : vector<37x2048xi1>, vector<37x2048xf32>
    %broadcast_in_dim3A_499 = vector.shape_cast %slice3A_69 : vector<1x2048xf32> to vector<1x2048xf32>
    %broadcast_in_dim3A_500 = vector.broadcast %broadcast_in_dim3A_499 : vector<1x2048xf32> to vector<37x2048xf32>
    %broadcast_in_dim3A_501 = vector.shape_cast %slice3A_60 : vector<1x2048xf32> to vector<1x2048xf32>
    %broadcast_in_dim3A_502 = vector.broadcast %broadcast_in_dim3A_501 : vector<1x2048xf32> to vector<37x2048xf32>
    %select_n3A_503 = arith.select %ge3A_360, %broadcast_in_dim3A_500, %broadcast_in_dim3A_502 : vector<37x2048xi1>, vector<37x2048xf32>
    %broadcast_in_dim3A_504 = vector.shape_cast %slice3A_87 : vector<1x2048xf32> to vector<1x2048xf32>
    %broadcast_in_dim3A_505 = vector.broadcast %broadcast_in_dim3A_504 : vector<1x2048xf32> to vector<37x2048xf32>
    %broadcast_in_dim3A_506 = vector.shape_cast %slice3A_78 : vector<1x2048xf32> to vector<1x2048xf32>
    %broadcast_in_dim3A_507 = vector.broadcast %broadcast_in_dim3A_506 : vector<1x2048xf32> to vector<37x2048xf32>
    %select_n3A_508 = arith.select %ge3A_360, %broadcast_in_dim3A_505, %broadcast_in_dim3A_507 : vector<37x2048xi1>, vector<37x2048xf32>
    %broadcast_in_dim3A_509 = vector.shape_cast %add3A_184 : vector<1x2048xf32> to vector<1x2048xf32>
    %broadcast_in_dim3A_510 = vector.broadcast %broadcast_in_dim3A_509 : vector<1x2048xf32> to vector<37x2048xf32>
    %broadcast_in_dim3A_511 = vector.shape_cast %slice3A_96 : vector<1x2048xf32> to vector<1x2048xf32>
    %broadcast_in_dim3A_512 = vector.broadcast %broadcast_in_dim3A_511 : vector<1x2048xf32> to vector<37x2048xf32>
    %select_n3A_513 = arith.select %ge3A_360, %broadcast_in_dim3A_510, %broadcast_in_dim3A_512 : vector<37x2048xi1>, vector<37x2048xf32>
    %broadcast_in_dim3A_514 = vector.shape_cast %add3A_310 : vector<1x2048xf32> to vector<1x2048xf32>
    %broadcast_in_dim3A_515 = vector.broadcast %broadcast_in_dim3A_514 : vector<1x2048xf32> to vector<37x2048xf32>
    %broadcast_in_dim3A_516 = vector.shape_cast %add3A_247 : vector<1x2048xf32> to vector<1x2048xf32>
    %broadcast_in_dim3A_517 = vector.broadcast %broadcast_in_dim3A_516 : vector<1x2048xf32> to vector<37x2048xf32>
    %select_n3A_518 = arith.select %ge3A_360, %broadcast_in_dim3A_515, %broadcast_in_dim3A_517 : vector<37x2048xi1>, vector<37x2048xf32>
    %select_n3A_519 = arith.select %ge3A_351, %select_n3A_508, %select_n3A_503 : vector<37x2048xi1>, vector<37x2048xf32>
    %select_n3A_520 = arith.select %ge3A_351, %select_n3A_518, %select_n3A_513 : vector<37x2048xi1>, vector<37x2048xf32>
    %select_n3A_521 = arith.select %ge3A_344, %select_n3A_520, %select_n3A_519 : vector<37x2048xi1>, vector<37x2048xf32>
    %broadcast_in_dim3A_522 = vector.shape_cast %slice3A_70 : vector<1x2048xf32> to vector<1x2048xf32>
    %broadcast_in_dim3A_523 = vector.broadcast %broadcast_in_dim3A_522 : vector<1x2048xf32> to vector<37x2048xf32>
    %broadcast_in_dim3A_524 = vector.shape_cast %slice3A_61 : vector<1x2048xf32> to vector<1x2048xf32>
    %broadcast_in_dim3A_525 = vector.broadcast %broadcast_in_dim3A_524 : vector<1x2048xf32> to vector<37x2048xf32>
    %select_n3A_526 = arith.select %ge3A_360, %broadcast_in_dim3A_523, %broadcast_in_dim3A_525 : vector<37x2048xi1>, vector<37x2048xf32>
    %broadcast_in_dim3A_527 = vector.shape_cast %slice3A_88 : vector<1x2048xf32> to vector<1x2048xf32>
    %broadcast_in_dim3A_528 = vector.broadcast %broadcast_in_dim3A_527 : vector<1x2048xf32> to vector<37x2048xf32>
    %broadcast_in_dim3A_529 = vector.shape_cast %slice3A_79 : vector<1x2048xf32> to vector<1x2048xf32>
    %broadcast_in_dim3A_530 = vector.broadcast %broadcast_in_dim3A_529 : vector<1x2048xf32> to vector<37x2048xf32>
    %select_n3A_531 = arith.select %ge3A_360, %broadcast_in_dim3A_528, %broadcast_in_dim3A_530 : vector<37x2048xi1>, vector<37x2048xf32>
    %broadcast_in_dim3A_532 = vector.shape_cast %add3A_189 : vector<1x2048xf32> to vector<1x2048xf32>
    %broadcast_in_dim3A_533 = vector.broadcast %broadcast_in_dim3A_532 : vector<1x2048xf32> to vector<37x2048xf32>
    %broadcast_in_dim3A_534 = vector.shape_cast %slice3A_97 : vector<1x2048xf32> to vector<1x2048xf32>
    %broadcast_in_dim3A_535 = vector.broadcast %broadcast_in_dim3A_534 : vector<1x2048xf32> to vector<37x2048xf32>
    %select_n3A_536 = arith.select %ge3A_360, %broadcast_in_dim3A_533, %broadcast_in_dim3A_535 : vector<37x2048xi1>, vector<37x2048xf32>
    %broadcast_in_dim3A_537 = vector.shape_cast %add3A_315 : vector<1x2048xf32> to vector<1x2048xf32>
    %broadcast_in_dim3A_538 = vector.broadcast %broadcast_in_dim3A_537 : vector<1x2048xf32> to vector<37x2048xf32>
    %broadcast_in_dim3A_539 = vector.shape_cast %add3A_252 : vector<1x2048xf32> to vector<1x2048xf32>
    %broadcast_in_dim3A_540 = vector.broadcast %broadcast_in_dim3A_539 : vector<1x2048xf32> to vector<37x2048xf32>
    %select_n3A_541 = arith.select %ge3A_360, %broadcast_in_dim3A_538, %broadcast_in_dim3A_540 : vector<37x2048xi1>, vector<37x2048xf32>
    %select_n3A_542 = arith.select %ge3A_351, %select_n3A_531, %select_n3A_526 : vector<37x2048xi1>, vector<37x2048xf32>
    %select_n3A_543 = arith.select %ge3A_351, %select_n3A_541, %select_n3A_536 : vector<37x2048xi1>, vector<37x2048xf32>
    %select_n3A_544 = arith.select %ge3A_344, %select_n3A_543, %select_n3A_542 : vector<37x2048xi1>, vector<37x2048xf32>
    %broadcast_in_dim3A_545 = vector.shape_cast %slice3A_71 : vector<1x2048xf32> to vector<1x2048xf32>
    %broadcast_in_dim3A_546 = vector.broadcast %broadcast_in_dim3A_545 : vector<1x2048xf32> to vector<37x2048xf32>
    %broadcast_in_dim3A_547 = vector.shape_cast %slice3A_62 : vector<1x2048xf32> to vector<1x2048xf32>
    %broadcast_in_dim3A_548 = vector.broadcast %broadcast_in_dim3A_547 : vector<1x2048xf32> to vector<37x2048xf32>
    %select_n3A_549 = arith.select %ge3A_360, %broadcast_in_dim3A_546, %broadcast_in_dim3A_548 : vector<37x2048xi1>, vector<37x2048xf32>
    %broadcast_in_dim3A_550 = vector.shape_cast %slice3A_89 : vector<1x2048xf32> to vector<1x2048xf32>
    %broadcast_in_dim3A_551 = vector.broadcast %broadcast_in_dim3A_550 : vector<1x2048xf32> to vector<37x2048xf32>
    %broadcast_in_dim3A_552 = vector.shape_cast %slice3A_80 : vector<1x2048xf32> to vector<1x2048xf32>
    %broadcast_in_dim3A_553 = vector.broadcast %broadcast_in_dim3A_552 : vector<1x2048xf32> to vector<37x2048xf32>
    %select_n3A_554 = arith.select %ge3A_360, %broadcast_in_dim3A_551, %broadcast_in_dim3A_553 : vector<37x2048xi1>, vector<37x2048xf32>
    %broadcast_in_dim3A_555 = vector.shape_cast %add3A_194 : vector<1x2048xf32> to vector<1x2048xf32>
    %broadcast_in_dim3A_556 = vector.broadcast %broadcast_in_dim3A_555 : vector<1x2048xf32> to vector<37x2048xf32>
    %broadcast_in_dim3A_557 = vector.shape_cast %slice3A_98 : vector<1x2048xf32> to vector<1x2048xf32>
    %broadcast_in_dim3A_558 = vector.broadcast %broadcast_in_dim3A_557 : vector<1x2048xf32> to vector<37x2048xf32>
    %select_n3A_559 = arith.select %ge3A_360, %broadcast_in_dim3A_556, %broadcast_in_dim3A_558 : vector<37x2048xi1>, vector<37x2048xf32>
    %broadcast_in_dim3A_560 = vector.shape_cast %add3A_320 : vector<1x2048xf32> to vector<1x2048xf32>
    %broadcast_in_dim3A_561 = vector.broadcast %broadcast_in_dim3A_560 : vector<1x2048xf32> to vector<37x2048xf32>
    %broadcast_in_dim3A_562 = vector.shape_cast %add3A_257 : vector<1x2048xf32> to vector<1x2048xf32>
    %broadcast_in_dim3A_563 = vector.broadcast %broadcast_in_dim3A_562 : vector<1x2048xf32> to vector<37x2048xf32>
    %select_n3A_564 = arith.select %ge3A_360, %broadcast_in_dim3A_561, %broadcast_in_dim3A_563 : vector<37x2048xi1>, vector<37x2048xf32>
    %select_n3A_565 = arith.select %ge3A_351, %select_n3A_554, %select_n3A_549 : vector<37x2048xi1>, vector<37x2048xf32>
    %select_n3A_566 = arith.select %ge3A_351, %select_n3A_564, %select_n3A_559 : vector<37x2048xi1>, vector<37x2048xf32>
    %select_n3A_567 = arith.select %ge3A_344, %select_n3A_566, %select_n3A_565 : vector<37x2048xi1>, vector<37x2048xf32>
    %broadcast_in_dim3A_568 = vector.shape_cast %slice3A_129 : vector<1x2048xf32> to vector<1x2048xf32>
    %broadcast_in_dim3A_569 = vector.broadcast %broadcast_in_dim3A_568 : vector<1x2048xf32> to vector<37x2048xf32>
    %broadcast_in_dim3A_570 = vector.shape_cast %slice3A_126 : vector<1x2048xf32> to vector<1x2048xf32>
    %broadcast_in_dim3A_571 = vector.broadcast %broadcast_in_dim3A_570 : vector<1x2048xf32> to vector<37x2048xf32>
    %select_n3A_572 = arith.select %ge3A_360, %broadcast_in_dim3A_569, %broadcast_in_dim3A_571 : vector<37x2048xi1>, vector<37x2048xf32>
    %broadcast_in_dim3A_573 = vector.shape_cast %slice3A_135 : vector<1x2048xf32> to vector<1x2048xf32>
    %broadcast_in_dim3A_574 = vector.broadcast %broadcast_in_dim3A_573 : vector<1x2048xf32> to vector<37x2048xf32>
    %broadcast_in_dim3A_575 = vector.shape_cast %slice3A_132 : vector<1x2048xf32> to vector<1x2048xf32>
    %broadcast_in_dim3A_576 = vector.broadcast %broadcast_in_dim3A_575 : vector<1x2048xf32> to vector<37x2048xf32>
    %select_n3A_577 = arith.select %ge3A_360, %broadcast_in_dim3A_574, %broadcast_in_dim3A_576 : vector<37x2048xi1>, vector<37x2048xf32>
    %broadcast_in_dim3A_578 = vector.shape_cast %add3A_200 : vector<1x2048xf32> to vector<1x2048xf32>
    %broadcast_in_dim3A_579 = vector.broadcast %broadcast_in_dim3A_578 : vector<1x2048xf32> to vector<37x2048xf32>
    %broadcast_in_dim3A_580 = vector.shape_cast %slice3A_138 : vector<1x2048xf32> to vector<1x2048xf32>
    %broadcast_in_dim3A_581 = vector.broadcast %broadcast_in_dim3A_580 : vector<1x2048xf32> to vector<37x2048xf32>
    %select_n3A_582 = arith.select %ge3A_360, %broadcast_in_dim3A_579, %broadcast_in_dim3A_581 : vector<37x2048xi1>, vector<37x2048xf32>
    %broadcast_in_dim3A_583 = vector.shape_cast %add3A_326 : vector<1x2048xf32> to vector<1x2048xf32>
    %broadcast_in_dim3A_584 = vector.broadcast %broadcast_in_dim3A_583 : vector<1x2048xf32> to vector<37x2048xf32>
    %broadcast_in_dim3A_585 = vector.shape_cast %add3A_263 : vector<1x2048xf32> to vector<1x2048xf32>
    %broadcast_in_dim3A_586 = vector.broadcast %broadcast_in_dim3A_585 : vector<1x2048xf32> to vector<37x2048xf32>
    %select_n3A_587 = arith.select %ge3A_360, %broadcast_in_dim3A_584, %broadcast_in_dim3A_586 : vector<37x2048xi1>, vector<37x2048xf32>
    %select_n3A_588 = arith.select %ge3A_351, %select_n3A_577, %select_n3A_572 : vector<37x2048xi1>, vector<37x2048xf32>
    %select_n3A_589 = arith.select %ge3A_351, %select_n3A_587, %select_n3A_582 : vector<37x2048xi1>, vector<37x2048xf32>
    %select_n3A_590 = arith.select %ge3A_344, %select_n3A_589, %select_n3A_588 : vector<37x2048xi1>, vector<37x2048xf32>
    %broadcast_in_dim3A_591 = vector.shape_cast %slice3A_130 : vector<1x2048xf32> to vector<1x2048xf32>
    %broadcast_in_dim3A_592 = vector.broadcast %broadcast_in_dim3A_591 : vector<1x2048xf32> to vector<37x2048xf32>
    %broadcast_in_dim3A_593 = vector.shape_cast %slice3A_127 : vector<1x2048xf32> to vector<1x2048xf32>
    %broadcast_in_dim3A_594 = vector.broadcast %broadcast_in_dim3A_593 : vector<1x2048xf32> to vector<37x2048xf32>
    %select_n3A_595 = arith.select %ge3A_360, %broadcast_in_dim3A_592, %broadcast_in_dim3A_594 : vector<37x2048xi1>, vector<37x2048xf32>
    %broadcast_in_dim3A_596 = vector.shape_cast %slice3A_136 : vector<1x2048xf32> to vector<1x2048xf32>
    %broadcast_in_dim3A_597 = vector.broadcast %broadcast_in_dim3A_596 : vector<1x2048xf32> to vector<37x2048xf32>
    %broadcast_in_dim3A_598 = vector.shape_cast %slice3A_133 : vector<1x2048xf32> to vector<1x2048xf32>
    %broadcast_in_dim3A_599 = vector.broadcast %broadcast_in_dim3A_598 : vector<1x2048xf32> to vector<37x2048xf32>
    %select_n3A_600 = arith.select %ge3A_360, %broadcast_in_dim3A_597, %broadcast_in_dim3A_599 : vector<37x2048xi1>, vector<37x2048xf32>
    %broadcast_in_dim3A_601 = vector.shape_cast %add3A_206 : vector<1x2048xf32> to vector<1x2048xf32>
    %broadcast_in_dim3A_602 = vector.broadcast %broadcast_in_dim3A_601 : vector<1x2048xf32> to vector<37x2048xf32>
    %broadcast_in_dim3A_603 = vector.shape_cast %slice3A_139 : vector<1x2048xf32> to vector<1x2048xf32>
    %broadcast_in_dim3A_604 = vector.broadcast %broadcast_in_dim3A_603 : vector<1x2048xf32> to vector<37x2048xf32>
    %select_n3A_605 = arith.select %ge3A_360, %broadcast_in_dim3A_602, %broadcast_in_dim3A_604 : vector<37x2048xi1>, vector<37x2048xf32>
    %broadcast_in_dim3A_606 = vector.shape_cast %add3A_332 : vector<1x2048xf32> to vector<1x2048xf32>
    %broadcast_in_dim3A_607 = vector.broadcast %broadcast_in_dim3A_606 : vector<1x2048xf32> to vector<37x2048xf32>
    %broadcast_in_dim3A_608 = vector.shape_cast %add3A_269 : vector<1x2048xf32> to vector<1x2048xf32>
    %broadcast_in_dim3A_609 = vector.broadcast %broadcast_in_dim3A_608 : vector<1x2048xf32> to vector<37x2048xf32>
    %select_n3A_610 = arith.select %ge3A_360, %broadcast_in_dim3A_607, %broadcast_in_dim3A_609 : vector<37x2048xi1>, vector<37x2048xf32>
    %select_n3A_611 = arith.select %ge3A_351, %select_n3A_600, %select_n3A_595 : vector<37x2048xi1>, vector<37x2048xf32>
    %select_n3A_612 = arith.select %ge3A_351, %select_n3A_610, %select_n3A_605 : vector<37x2048xi1>, vector<37x2048xf32>
    %select_n3A_613 = arith.select %ge3A_344, %select_n3A_612, %select_n3A_611 : vector<37x2048xi1>, vector<37x2048xf32>
    %broadcast_in_dim3A_614 = vector.shape_cast %slice3A_131 : vector<1x2048xf32> to vector<1x2048xf32>
    %broadcast_in_dim3A_615 = vector.broadcast %broadcast_in_dim3A_614 : vector<1x2048xf32> to vector<37x2048xf32>
    %broadcast_in_dim3A_616 = vector.shape_cast %slice3A_128 : vector<1x2048xf32> to vector<1x2048xf32>
    %broadcast_in_dim3A_617 = vector.broadcast %broadcast_in_dim3A_616 : vector<1x2048xf32> to vector<37x2048xf32>
    %select_n3A_618 = arith.select %ge3A_360, %broadcast_in_dim3A_615, %broadcast_in_dim3A_617 : vector<37x2048xi1>, vector<37x2048xf32>
    %broadcast_in_dim3A_619 = vector.shape_cast %slice3A_137 : vector<1x2048xf32> to vector<1x2048xf32>
    %broadcast_in_dim3A_620 = vector.broadcast %broadcast_in_dim3A_619 : vector<1x2048xf32> to vector<37x2048xf32>
    %broadcast_in_dim3A_621 = vector.shape_cast %slice3A_134 : vector<1x2048xf32> to vector<1x2048xf32>
    %broadcast_in_dim3A_622 = vector.broadcast %broadcast_in_dim3A_621 : vector<1x2048xf32> to vector<37x2048xf32>
    %select_n3A_623 = arith.select %ge3A_360, %broadcast_in_dim3A_620, %broadcast_in_dim3A_622 : vector<37x2048xi1>, vector<37x2048xf32>
    %broadcast_in_dim3A_624 = vector.shape_cast %add3A_212 : vector<1x2048xf32> to vector<1x2048xf32>
    %broadcast_in_dim3A_625 = vector.broadcast %broadcast_in_dim3A_624 : vector<1x2048xf32> to vector<37x2048xf32>
    %broadcast_in_dim3A_626 = vector.shape_cast %slice3A_140 : vector<1x2048xf32> to vector<1x2048xf32>
    %broadcast_in_dim3A_627 = vector.broadcast %broadcast_in_dim3A_626 : vector<1x2048xf32> to vector<37x2048xf32>
    %select_n3A_628 = arith.select %ge3A_360, %broadcast_in_dim3A_625, %broadcast_in_dim3A_627 : vector<37x2048xi1>, vector<37x2048xf32>
    %broadcast_in_dim3A_629 = vector.shape_cast %add3A_338 : vector<1x2048xf32> to vector<1x2048xf32>
    %broadcast_in_dim3A_630 = vector.broadcast %broadcast_in_dim3A_629 : vector<1x2048xf32> to vector<37x2048xf32>
    %broadcast_in_dim3A_631 = vector.shape_cast %add3A_275 : vector<1x2048xf32> to vector<1x2048xf32>
    %broadcast_in_dim3A_632 = vector.broadcast %broadcast_in_dim3A_631 : vector<1x2048xf32> to vector<37x2048xf32>
    %select_n3A_633 = arith.select %ge3A_360, %broadcast_in_dim3A_630, %broadcast_in_dim3A_632 : vector<37x2048xi1>, vector<37x2048xf32>
    %select_n3A_634 = arith.select %ge3A_351, %select_n3A_623, %select_n3A_618 : vector<37x2048xi1>, vector<37x2048xf32>
    %select_n3A_635 = arith.select %ge3A_351, %select_n3A_633, %select_n3A_628 : vector<37x2048xi1>, vector<37x2048xf32>
    %select_n3A_636 = arith.select %ge3A_344, %select_n3A_635, %select_n3A_634 : vector<37x2048xi1>, vector<37x2048xf32>
    %broadcast_in_dim3A_637 = arith.constant 0.000000e+00 : bf16
    %broadcast_in_dim3A_638 = vector.broadcast %broadcast_in_dim3A_637 : bf16 to vector<3x2048xbf16>
    %mul3A_639 = arith.mulf %slice3A_339, %select_n3A_383 : vector<37x2048xf32>
    %mul3A_640 = arith.mulf %slice3A_340, %select_n3A_452 : vector<37x2048xf32>
    %add3A_641 = arith.addf %mul3A_639, %mul3A_640 : vector<37x2048xf32>
    %mul3A_642 = arith.mulf %slice3A_341, %select_n3A_521 : vector<37x2048xf32>
    %add3A_643 = arith.addf %add3A_641, %mul3A_642 : vector<37x2048xf32>
    %add3A_644 = arith.addf %add3A_643, %select_n3A_590 : vector<37x2048xf32>
    %convert_element_type3A_645 = arith.truncf %add3A_644 : vector<37x2048xf32> to vector<37x2048xbf16>
    %convert_element_type3A_646 = arith.extf %convert_element_type3A_645 : vector<37x2048xbf16> to vector<37x2048xf32>
    %sub3A_647 = arith.subf %add3A_644, %convert_element_type3A_646 : vector<37x2048xf32>
    %convert_element_type3A_648 = arith.truncf %sub3A_647 : vector<37x2048xf32> to vector<37x2048xbf16>
    %mul3A_649 = arith.mulf %slice3A_339, %select_n3A_406 : vector<37x2048xf32>
    %mul3A_650 = arith.mulf %slice3A_340, %select_n3A_475 : vector<37x2048xf32>
    %add3A_651 = arith.addf %mul3A_649, %mul3A_650 : vector<37x2048xf32>
    %mul3A_652 = arith.mulf %slice3A_341, %select_n3A_544 : vector<37x2048xf32>
    %add3A_653 = arith.addf %add3A_651, %mul3A_652 : vector<37x2048xf32>
    %add3A_654 = arith.addf %add3A_653, %select_n3A_613 : vector<37x2048xf32>
    %convert_element_type3A_655 = arith.truncf %add3A_654 : vector<37x2048xf32> to vector<37x2048xbf16>
    %convert_element_type3A_656 = arith.extf %convert_element_type3A_655 : vector<37x2048xbf16> to vector<37x2048xf32>
    %sub3A_657 = arith.subf %add3A_654, %convert_element_type3A_656 : vector<37x2048xf32>
    %convert_element_type3A_658 = arith.truncf %sub3A_657 : vector<37x2048xf32> to vector<37x2048xbf16>
    %mul3A_659 = arith.mulf %slice3A_339, %select_n3A_429 : vector<37x2048xf32>
    %mul3A_660 = arith.mulf %slice3A_340, %select_n3A_498 : vector<37x2048xf32>
    %add3A_661 = arith.addf %mul3A_659, %mul3A_660 : vector<37x2048xf32>
    %mul3A_662 = arith.mulf %slice3A_341, %select_n3A_567 : vector<37x2048xf32>
    %add3A_663 = arith.addf %add3A_661, %mul3A_662 : vector<37x2048xf32>
    %add3A_664 = arith.addf %add3A_663, %select_n3A_636 : vector<37x2048xf32>
    %convert_element_type3A_665 = arith.truncf %add3A_664 : vector<37x2048xf32> to vector<37x2048xbf16>
    %convert_element_type3A_666 = arith.extf %convert_element_type3A_665 : vector<37x2048xbf16> to vector<37x2048xf32>
    %sub3A_667 = arith.subf %add3A_664, %convert_element_type3A_666 : vector<37x2048xf32>
    %convert_element_type3A_668 = arith.truncf %sub3A_667 : vector<37x2048xf32> to vector<37x2048xbf16>
    %concatenate3A_669 = tpu.concatenate %convert_element_type3A_645, %broadcast_in_dim3A_638, %convert_element_type3A_648, %broadcast_in_dim3A_638, %convert_element_type3A_655, %broadcast_in_dim3A_638, %convert_element_type3A_658, %broadcast_in_dim3A_638, %convert_element_type3A_665, %broadcast_in_dim3A_638, %convert_element_type3A_668, %broadcast_in_dim3A_638 in 0 : vector<37x2048xbf16>, vector<3x2048xbf16>, vector<37x2048xbf16>, vector<3x2048xbf16>, vector<37x2048xbf16>, vector<3x2048xbf16>, vector<37x2048xbf16>, vector<3x2048xbf16>, vector<37x2048xbf16>, vector<3x2048xbf16>, vector<37x2048xbf16>, vector<3x2048xbf16> -> vector<240x2048xbf16>
    %get3A_670 = arith.constant 0 : index
    %get3A_671 = arith.constant 0 : index
    %get3A_672 = vector.load %arg4[%get3A_670, %get3A_671] : memref<240x111xbf16, #tpu.memory_space<vmem>>, vector<240x111xbf16>
    %dot_general3A_673 = arith.constant dense<0.000000e+00> : vector<2048x111xf32>
    %dot_general3A_674 = tpu.matmul %concatenate3A_669, %get3A_672, %dot_general3A_673 {dimension_numbers = #tpu.dot_dimension_numbers<[0], [0], [1], [1], [0, 1, 1, 1], [], []>, transpose_lhs_hint = false} : vector<240x2048xbf16>, vector<240x111xbf16>, vector<2048x111xf32> -> vector<2048x111xf32>
    %swap3A = arith.constant 0 : index
    %swap3A_675 = arith.constant 0 : index
    %swap3A_676 = vector.load %arg5[%swap3A, %swap3A_675] : memref<2048x111xf32, #tpu.memory_space<vmem>>, vector<2048x111xf32>
    tpu.vector_store %arg5[%swap3A, %swap3A_675], %dot_general3A_674 {strides = array<i32>} : memref<2048x111xf32, #tpu.memory_space<vmem>>, vector<2048x111xf32>,
    return
  }
  func.func @transform_0(%arg0: i32) -> (i32, i32, i32) {
    %c0_i32 = arith.constant 0 : i32
    %c0_i32_0 = arith.constant 0 : i32
    %c0_i32_1 = arith.constant 0 : i32
    return %arg0, %c0_i32, %c0_i32_0 : i32, i32, i32
  }
  func.func @transform_1(%arg0: i32) -> (i32, i32, i32) {
    %c0_i32 = arith.constant 0 : i32
    %c0_i32_0 = arith.constant 0 : i32
    %c0_i32_1 = arith.constant 0 : i32
    return %c0_i32, %c0_i32_0, %arg0 : i32, i32, i32
  }
  func.func @transform_2(%arg0: i32) -> (i32, i32) {
    %c0_i32 = arith.constant 0 : i32
    %c0_i32_0 = arith.constant 0 : i32
    %c0_i32_1 = arith.constant 0 : i32
    return %c0_i32, %c0_i32_0 : i32, i32
  }
  func.func @transform_3(%arg0: i32) -> (i32, i32) {
    %c0_i32 = arith.constant 0 : i32
    %c0_i32_0 = arith.constant 0 : i32
    %c0_i32_1 = arith.constant 0 : i32
    return %c0_i32, %c0_i32_0 : i32, i32
  }
  func.func @transform_4(%arg0: i32) -> (i32, i32) {
    %c0_i32 = arith.constant 0 : i32
    %c0_i32_0 = arith.constant 0 : i32
    return %arg0, %c0_i32 : i32, i32
  }
}

</mosaic_0001>

<sc_bundles>
// kernel: gather_offload_async_start
scs
__scs_entry_jumppad:
0x0: {  	(pc) =	sbr.rel $0x88, $3  }
0x1: {  	(tag) =	ssettag $0x0;
	lr =	simm.s32 $0x1  }
0x2: {  	[smem:$0x3F9C] =	sst lr;
	_ =	strace $0xD0000000  }
0x3: {  	_ = 	snop  }
0x4: {  	_ = 	snop  }
0x5: {  	_ = 	snop  }
0x6: {  	_ = 	snop  }
0x7: {  	_ = 	snop  }
__scs_overlays_trampoline_lowered:
0x8: {  	[smem:$0x3FAB] =	sst s0  }
0x9: {  	[smem:$0x3FAC] =	sst s1  }
0xa: {  	[smem:$0x3FAD] =	sst s2  }
0xb: {  	[smem:$0x3FAE] =	sst s3  }
0xc: {  	[smem:$0x3FAF] =	sst s4  }
0xd: {  	[smem:$0x3FB0] =	sst s5  }
0xe: {  	[smem:$0x3FB1] =	sst s6  }
0xf: {  	[smem:$0x3FB2] =	sst s7  }
0x10: {  	[smem:$0x3FB3] =	sst s8  }
0x11: {  	[smem:$0x3FB4] =	sst s9;
	s0 =	simm.s32 @!p0 $0x0  }
0x12: {  	s1 =	sld [smem:$0x3F9A];
	s0 =	simm.s32 @p0 $0x1  }
0x13: {  	[smem:$0x3FB5] =	sst s0;
	s0 =	simm.s32 @!p1 $0x0  }
0x14: {  	s2 =	sld [smem:$0x3F99];
	s0 =	simm.s32 @p1 $0x1  }
0x15: {  	[smem:$0x3FB6] =	sst s0;
	s0 =	simm.s32 @!p2 $0x0  }
0x16: {  	s3 =	sld [smem:$0x3FDB];
	s0 =	simm.s32 @p2 $0x1  }
0x17: {  	s4 =	simm.s32 $0x1BF5;
	[smem:$0x3FB8] =	sst s0  }
0x18: {  	s0 =	sld [smem:$0x3F9B];
	_ =	swait.ge [sflag:s4], $0x0  }
0x19: {  	s7 =	sld [smem:$0x3F9C]  }
0x1a: {  	s8 =	sadd.s32 $0xFFFFE003, lr  }
0x1b: {  	s9 =	sadd.s32 $0xFFFFFEF7, lr;
	s5 =	simm.s32 $0xFFFFFFFF;
	p2 =	slt.u32 s8, $0xFFFFF086  }
0x1c: {  	p1 =	slt.u32 s9, $0xF7A;
	s5 =	simm.s32 @!p2 $0x0  }
0x1d: {  	s5 =	simm.s32 @p1 $0x1;
	p0 =	seq.s32 s7, s2  }
0x1e: {  	s7 =	smul.u32 @!p0 $0xF7A, s2;
	p2 =	seq.s32 @!p0 s5, $0x0  }
0x1f: {  	s9 =	smul.u32 $0xF7A, s1;
	s8 =	simm.s32 @!p0 $0x1BF5;
	p2 =	por !p2, p0  }
0x20: {  	[sflag:s8] =	ssyncset.s32 @!p0 $0xFFFFF086;
	s6 =	sadd.s32 @!p0 s3, s7;
	s7 =	simm.s32 @!p0 $0x108  }
0x21: {  	s3 =	sadd.s32 s3, s9;
	s6 =	sadd.s32 @!p0 $0x88, s6;
	s7 =	simm.s32 @p2 $0x1082  }
0x22: {  	[simem:s7], [sflag:s8] =	dma.local @!p0 [hbm:s6], $0xF7A  }
0x23: {  	s9 =	sor.u32 $0xD0000000, s2;
	s6 =	simm.s32 $0x108;
	_ =	swait.ge @!p0 [sflag:s8], $0x0  }
0x24: {  	s3 =	sadd.s32 $0x88, s3;
	s6 =	simm.s32 @!p1 $0x1082;
	[sflag:s4] =	ssyncset.s32 $0xFFFFF086  }
0x25: {  	[simem:s6], [sflag:s4] =	dma.local [hbm:s3], $0xF7A  }
0x26: {  	[smem:$0x3F9C] =	sst s1;
	(tag) =	ssettag s2;
	_ =	strace s9  }
0x27: {  	s1 =	sld [smem:$0x3FAC]  }
0x28: {  	s2 =	sld [smem:$0x3FAD]  }
0x29: {  	s4 =	sld [smem:$0x3FAF]  }
0x2a: {  	p0 =	seq.s32 s5, $0x0;
	s5 =	sld [smem:$0x3FB0]  }
0x2b: {  	s6 =	sld [smem:$0x3FB1]  }
0x2c: {  	s7 =	sld [smem:$0x3FB2]  }
0x2d: {  	s3 =	simm.s32 $0x108;
	s8 =	sld [smem:$0x3FB3]  }
0x2e: {  	s3 =	simm.s32 @!p0 $0x1082;
	s9 =	sld [smem:$0x3FB4]  }
0x2f: {  	lr =	sadd.s32 s0, s3;
	s0 =	sld [smem:$0x3FAB]  }
0x30: {  	s3 =	sld [smem:$0x3FAE]  }
0x31: {  	[smem:$0x3FB7] =	sst s10  }
0x32: {  	s10 =	sld [smem:$0x3FB5];
	_ =	sdelay $0x3  }
0x33: {  	p0 =	seq.s32 s10, $0x1;
	s10 =	sld [smem:$0x3FB7];
	_ =	sdelay $0x3  }
0x34: {  	[smem:$0x3FB7] =	sst s10  }
0x35: {  	s10 =	sld [smem:$0x3FB6];
	_ =	sdelay $0x3  }
0x36: {  	p1 =	seq.s32 s10, $0x1;
	s10 =	sld [smem:$0x3FB7];
	_ =	sdelay $0x3  }
0x37: {  	[smem:$0x3FB7] =	sst s10  }
0x38: {  	s10 =	sld [smem:$0x3FB8]  }
0x39: {  	_ = 	snop;
	(pc) =	sbr.ind lr, $3  }
0x3a: {  	_ = 	snop  }
0x3b: {  	_ = 	snop  }
0x3c: {  	p2 =	seq.s32 s10, $0x1;
	s10 =	sld [smem:$0x3FB7]  }
0x3d: {  	_ =	shalt  }
0x3e: {  	_ =	shalt  }
0x3f: {  	_ =	shalt  }
0x40: {  	_ =	shalt  }
0x41: {  	_ =	shalt  }
0x42: {  	_ =	shalt  }
0x43: {  	_ =	shalt  }
0x44: {  	_ =	shalt  }
0x45: {  	_ =	shalt  }
0x46: {  	_ =	shalt  }
0x47: {  	_ =	shalt  }
0x48: {  	_ =	shalt  }
0x49: {  	_ =	shalt  }
0x4a: {  	_ =	shalt  }
0x4b: {  	_ =	shalt  }
0x4c: {  	_ =	shalt  }
0x4d: {  	_ =	shalt  }
0x4e: {  	_ =	shalt  }
0x4f: {  	_ =	shalt  }
0x50: {  	_ =	shalt  }
0x51: {  	_ =	shalt  }
0x52: {  	_ =	shalt  }
0x53: {  	_ =	shalt  }
0x54: {  	_ =	shalt  }
0x55: {  	_ =	shalt  }
0x56: {  	_ =	shalt  }
0x57: {  	_ =	shalt  }
0x58: {  	_ =	shalt  }
0x59: {  	_ =	shalt  }
0x5a: {  	_ =	shalt  }
0x5b: {  	_ =	shalt  }
0x5c: {  	_ =	shalt  }
0x5d: {  	_ =	shalt  }
0x5e: {  	_ =	shalt  }
0x5f: {  	_ =	shalt  }
0x60: {  	_ =	shalt  }
0x61: {  	_ =	shalt  }
0x62: {  	_ =	shalt  }
0x63: {  	_ =	shalt  }
0x64: {  	_ =	shalt  }
0x65: {  	_ =	shalt  }
0x66: {  	_ =	shalt  }
0x67: {  	_ =	shalt  }
0x68: {  	_ =	shalt  }
0x69: {  	_ =	shalt  }
0x6a: {  	_ =	shalt  }
0x6b: {  	_ =	shalt  }
0x6c: {  	_ =	shalt  }
0x6d: {  	_ =	shalt  }
0x6e: {  	_ =	shalt  }
0x6f: {  	_ =	shalt  }
0x70: {  	_ =	shalt  }
0x71: {  	_ =	shalt  }
0x72: {  	_ =	shalt  }
0x73: {  	_ =	shalt  }
0x74: {  	_ =	shalt  }
0x75: {  	_ =	shalt  }
0x76: {  	_ =	shalt  }
0x77: {  	_ =	shalt  }
0x78: {  	_ =	shalt  }
0x79: {  	_ =	shalt  }
0x7a: {  	_ =	shalt  }
0x7b: {  	_ =	shalt  }
0x7c: {  	_ =	shalt  }
0x7d: {  	_ =	shalt  }
0x7e: {  	_ =	shalt  }
0x7f: {  	_ =	shalt  }
0x80: {  	_ =	shalt  }
0x81: {  	_ =	shalt  }
0x82: {  	_ =	shalt  }
0x83: {  	_ =	shalt  }
0x84: {  	_ =	shalt  }
0x85: {  	_ =	shalt  }
0x86: {  	_ =	shalt  }
0x87: {  	_ =	shalt  }
.Lfunc_end0:
.L_simem_size_0:
called_computation_lowered:
.L_overlay_start_0:
0x88: {  	s2 =	sld [smem:$0x3FD9]  }
0x89: {  	s3 =	sld [smem:$0x3FFE];
	_ =	sdelay $0x1  }
0x8a: {  	s1 =	srdreg.scid  }
0x8b: {  	s0 =	sand.u32 $0x1, s1  }
0x8c: {  	s17 =	sshll.u32 s0, $0xA;
	s2 =	sadd.s32 s3, s2  }
0x8d: {  	s2 =	sadd.s32 s2, s17  }
0x8e: {  	[smem:$0x3FC3] =	sst s2  }
0x8f: {  	_ = 	snop  }
0x90: {  	s2 =	sld [smem:$0x3FD0];
	(tm) =	ssettm $0x1  }
0x91: {  	s18 =	sld [smem:$0x3FFB];
	_ =	sdelay $0x3  }
0x92: {  	_ =	strace s18  }
0x93: {  	s3 =	sld [smem:$0x3FFC];
	_ =	sdelay $0x3  }
0x94: {  	_ =	strace s3  }
0x95: {  	s3 =	sld [smem:$0x3FFD];
	_ =	sdelay $0x3  }
0x96: {  	_ =	strace s3  }
0x97: {  	_ =	strace $0x8FFFFFFF  }
0x98: {  	s19 =	sld [smem:$0x3FDB];
	_ =	sdelay $0x1  }
0x99: {  	s4 =	simm.s32 $_scs_section_size  }
0x9a: {  	s5 =	simm.s32 $_size__tile_overlayer_lowered;
	s6 =	simm.s32 $_tile_overlayer_lowered  }
0x9b: {  	s22 =	simm.s32 $0x1BFF;
	s21 =	sshll.u32 s6, $0x1;
	s3 =	sadd.s32 s4, s19  }
0x9c: {  	s7 =	simm.s32 $0x0;
	s20 =	sshll.u32 s5, $0x1;
	s5 =	sadd.s32 s21, s3  }
0x9d: {  	[timem:s7], [sflag:s22] =	dma.local [hbm:s5], s20  }
0x9e: {  	_ =	swait.ge [sflag:s22], s20  }
0x9f: {  	s4 =	ssub.s32 $0x0, s20;
	[sflag:s22] =	ssyncset.done $0x0  }
0xa0: {  	[sflag:s22] =	ssyncadd.s32 s4;
	_ =	sdelay $0x1  }
0xa1: {  	s23 =	simm.s32 $0x1B8B  }
0xa2: {  	_ =	swait.ge [sflag:s23], $0x1  }
0xa3: {  	[sflag:s23] =	ssyncset.done $0x0  }
0xa4: {  	s25 =	simm.s32 $0x1B8E;
	s24 =	sld [smem:$0x3FFE];
	[sflag:s23] =	ssyncadd.s32 $0xFFFFFFFF  }
0xa5: {  	s26 =	simm.s32 $execute0_lowered;
	[smem:$0x3FD2] =	sst s25  }
0xa6: {  	s5 =	sshll.u32 s26, $0x1;
	_ =	strace $0x80000046;
	[dreg:$0x1] =	wrdreg $0xFFFFFFFF  }
0xa7: {  	s28 =	simm.s32 $_size_execute0_lowered;
	s3 =	sadd.s32 s3, s5;
	[dreg:$0x0] =	wrdreg $0x0  }
0xa8: {  	s5 =	sshll.u32 s28, $0x1;
	[dreg:$0x2] =	wrdreg s3  }
0xa9: {  	[dreg:$0x3] =	wrdreg s5  }
0xaa: {  	[dreg:$0x4] =	wrdreg $0xC0  }
0xab: {  	_ =	task [dreg:s7], $0x5FFFF  }
0xac: {  	[dreg:$0x1] =	wrdreg $0xFFFFFFFF  }
0xad: {  	[dreg:$0x0] =	wrdreg $0x60  }
0xae: {  	[dreg:$0x2] =	wrdreg s24  }
0xaf: {  	[dreg:$0x3] =	wrdreg s2  }
0xb0: {  	[dreg:$0x4] =	wrdreg $0x9  }
0xb1: {  	_ =	task.clear_ibuf [dreg:s7], $0x5FFFF;
	_ =	strace $0x90000046  }
0xb2: {  	s29 =	simm.s32 $0x9;
	_ =	strace $0x80000048  }
0xb3: {  	_ =	swait.ge [sflag:s29], $0x1  }
0xb4: {  	[sflag:s29] =	ssyncadd.s32 $0xFFFFFFFF  }
0xb5: {  	_ =	strace $0x90000048  }
0xb6: {  	_ =	sfence  }
0xb7: {  	s30 =	sld [smem:$0x0];
	_ =	sdelay $0x2  }
0xb8: {  	s31 =	sshll.u32 s1, $0xD;
	s1 =	sshrl.u32 s1, $0x2  }
0xb9: {  	s3 =	sand.u32 $0x4000, s31;
	s1 =	sadd.s32 s1, s30  }
0xba: {  	s0 =	sor.u32 s3, s0;
	s1 =	sshll.u32 s1, $0x11  }
0xbb: {  	s0 =	sor.u32 s1, s0  }
0xbc: {  	s0 =	sadd.s32 $0x8F2B, s0  }
0xbd: {  	[sflag:s0] =	ssyncadd.remote.s32 $0x1  }
0xbe: {  	_ =	sfence.sel $0xFFFF  }
0xbf: {  	[dreg:$0x0] =	wrdreg $0xFFFFFFFF;
	(pc) =	sbr.abs _section_cstart, $3  }
0xc0: {  	[dreg:$0x1] =	wrdreg $0xFFFFFFFF  }
0xc1: {  	_ =	task.clear_ibuf [dreg:s7], $0x2FFFF;
	_ =	strace $0x9FFFFFFF  }
0xc2: {  	(tm) =	ssettm $0x7FFFFFFF  }
0xc3: {  	_ =	shalt  }
tec
execute0_lowered:
.L_overlay_start_1:
0x0: {  	(tag) =	ssettag $0x1  }
0x1: {  	s1 =	srdreg.scid;
	s5 =	rddreg [dreg:$0x0]  }
0x2: {  	s0 =	stileid.u32;
	s2 =	rddreg [dreg:$0x1];
	s6 =	simm.s32 $0x1  }
0x3: {  	s9 =	simm.s32 $0x1;
	s10 =	simm.s32 $0x3;
	s1 =	sshll.u32 s1, $0x7  }
0x4: {  	s13 =	simm.s32 $0x0;
	s3 =	sshll.u32 s0, $0x8;
	s4 =	sand.u32 $0x80, s1  }
0x5: {  	s12 =	simm.s32 $0x0;
	s1 =	rddreg [dreg:$0x2];
	s3 =	sor.u32 s3, s4  }
0x6: {  	_ =	strace $0x80000047;
	s4 =	sadd.s32 $0x600, s5;
	s8 =	ssub.s32 $0x2000, s3  }
.Ltmp0:
0x7: {  	s5 =	sadd.s32 $0xA00, s5;
	s7 =	sand.u32 $0xF80, s8;
	(pc) =	sbr.rel .LBB2_1-.Ltmp0, $4  }
0x8: {  	[sflag:s6] =	ssyncpa.u1 $0x0;
	s11 =	smov.u32 s3;
	p0 =	sne.s32 s7, $0x0  }
0x9: {  	s8 =	sshrl.u32 s8, $0xC;
	s7 =	simm.s32 $0x2;
	s9 =	simm.s32 @!p0 $0x0  }
0xa: {  	[sflag:s7] =	ssyncpa.u1 $0x0;
	p0 =	por $0x0, $0x0;
	s8 =	sadd.s32 s9, s8  }
0xb: {  	vm0 =	vmmov $0xffff;
	[sflag:s10] =	ssyncpa.u1 $0x0;
	s10 =	simm.s32 $0x0;
	s9 =	sadd.s32 $0x1, s8  }
.LBB2_4:
0xc: {  	v2 =	vnsel vm1, $0x0, v2  }
0xd: {  	vm1 =	vgt.s32 v0, $0x0;
	v2 =	vmin.u32 v2, $0x16A4  }
0xe: {  	v0 =	vnsel vm1, $0x0, v0  }
0xf: {  	v0 =	vmin.u32 v0, $0x16A4  }
0x10: {  	[tilespmem:s15], [sflag:$0x1] =	stream.indirect_vreg.gather [hbm4b:s4+s10], $0x1, v1, vm0, $0x4038;
	[tilespmem:$0x200] =	vst v63  }
0x11: {  	(ifvalue) =	ssetifvalue $0x7FFFFFFF  }
0x12: {  	[tilespmem:s16], [sflag:$0x1] =	stream.indirect_vreg.gather [hbm4b:s4+s10], $0x1, v2, vm0, $0x4038;
	[tilespmem:$0x200] =	vst v63  }
0x13: {  	s29 =	sadd.s32 $0x10, s16;
	(ifvalue) =	ssetifvalue $0x7FFFFFFF  }
0x14: {  	[tilespmem:s29], [sflag:$0x1] =	stream.indirect_vreg.gather [hbm4b:s4+s10], $0x1, v0, vm0, $0x4038;
	[tilespmem:$0x200] =	vst v63  }
0x15: {  	_ =	swait.ge [sflag:s6], $0x80  }
0x16: {  	s30 =	sshrl.u32 s13, $0x3;
	[sflag:s6] =	ssyncset.done $0x0  }
0x17: {  	s31 =	sand.u32 $0x7, s13;
	s15 =	sadd.s32 s5, s30;
	[sflag:s6] =	ssyncadd.s32 $0xFFFFFF80  }
0x18: {  	[hbm4b:s15+s31] =	stream.linear.scatter [tilespmem:s14], [sflag:$0x3], $0x80, $0x38;
	[tilespmem:$0x200] =	vst v63  }
.LBB2_5:
0x19: {  	s15 =	sadd.s32 $0x1000, s11  }
0x1a: {  	p2 =	sgt.s32 s15, $0x1FFF  }
0x1b: {  	s15 =	smov.u32 @p2 s3;
	p2 =	sne.s32 s12, s9  }
.Ltmp1:
0x1c: {  	p1 =	slt.u32 s12, $0x2;
	(pc) =	sbr.rel @!p2 .LBB2_6-.Ltmp1, $4  }
0x1d: {  	s14 =	simm.s32 @!p1 $0x3  }
0x1e: {  	s16 =	sadd.s32 $0x1, s12;
	_ =	swait.ge @!p1 [sflag:s14], $0x80  }
0x1f: {  	s13 =	smov.u32 s11;
	p0 =	por !p0, !p0;
	[sflag:s14] =	ssyncset.done @!p1 $0x0  }
0x20: {  	s12 =	smov.u32 s16;
	s11 =	smov.u32 s15;
	[sflag:s14] =	ssyncadd.s32 @!p1 $0xFFFFFF80  }
.LBB2_1:
0x21: {  	p1 =	sge.u32 s12, s8  }
0x22: {  	s14 =	sxor.u32 @!p1 $0xFFFFFFFF, s12  }
0x23: {  	s31 =	sadd.s32 $0xFFFFFFFF, s12;
	s15 =	sshrl.u32 @!p1 s11, $0x3;
	s14 =	sshll.u32 @!p1 s14, $0x7  }
0x24: {  	s16 =	sand.u32 @!p1 $0x7, s11;
	s15 =	sadd.s32 @!p1 s2, s15;
	s14 =	sand.u32 @!p1 $0x80, s14  }
0x25: {  	[tilespmem:s14], [sflag:$0x2] =	stream.linear.gather @!p1 [hbm4b:s15+s16], $0x80, $0x38;
	[tilespmem:$0x200] =	vst v63  }
0x26: {  	p1 =	sge.u32 s31, s8  }
.Ltmp2:
0x27: {  	_ = 	snop;
	(pc) =	sbr.rel @p1 .LBB2_5-.Ltmp2, $1  }
0x28: {  	_ =	sdelay $0x3  }
0x29: {  	s14 =	simm.s32 $0x1  }
0x2a: {  	_ =	swait.ge [sflag:s7], $0x80;
	s14 =	simm.s32 @!p0 $0x0  }
0x2b: {  	[sflag:s7] =	ssyncset.done $0x0;
	s14 =	sshll.u32 s14, $0x7  }
0x2c: {  	[sflag:s7] =	ssyncadd.s32 $0xFFFFFF80;
	(ifvalue) =	ssetifvalue $0x7FFFFFFF;
	v0 =	vld.msk [tilespmem:s14+$0x0 ss:$0x1], $0xffff;
	_ =	sdelay $0x4  }
0x2d: {  	s15 =	sadd.s32 $0x10, s14;
	vm1 =	vgt.s32 v0, $0x0  }
0x2e: {  	v2 =	vld.msk [tilespmem:s15+$0x0 ss:$0x1], $0xffff;
	v1 =	vnsel vm1, $0x0, v0  }
0x2f: {  	v1 =	vmin.u32 v1, $0x16A4;
	_ =	sdelay $0x1  }
0x30: {  	s16 =	sshll.u32 s12, $0x7;
	s18 =	simm.s32 $0x20  }
0x31: {  	s16 =	sand.u32 $0x80, s16;
	s17 =	sadd.s32 $0x10, s15;
	s15 =	sor.u32 $0x100, s14  }
0x32: {  	s14 =	sor.u32 $0x100, s16;
	s16 =	sadd.s32 $0x10, s15;
	v0 =	vld.msk [tilespmem:s17+$0x0 ss:$0x1], $0xffff;
	vm1 =	vgt.s32 v2, $0x0;
	(ifvalue) =	ssetifvalue $0x7FFFFFFF  }
.LBB2_3:
0x33: {  	[tilespmem:s15], [sflag:$0x1] =	stream.indirect_vreg.gather [hbm4b:s4+s10], $0x1, v1, vm0, $0x4038;
	[tilespmem:$0x200] =	vst v63  }
0x34: {  	s18 =	sadd.s32 $0x10, s18  }
0x35: {  	v2 =	vnsel vm1, $0x0, v2;
	p1 =	slt.u32 s18, $0x70  }
.Ltmp3:
0x36: {  	s15 =	smov.u32 s16;
	v1 =	vmin.u32 v2, $0x16A4;
	(pc) =	sbr.rel @p1 .LBB2_3-.Ltmp3, $3  }
0x37: {  	_ =	sdelay $0x1  }
0x38: {  	s17 =	sadd.s32 $0x10, s17  }
0x39: {  	vm1 =	vgt.s32 v0, $0x0;
	s16 =	sadd.s32 $0x10, s16;
	v2 =	vmov v0;
	(ifvalue) =	ssetifvalue $0x7FFFFFFF;
	v0 =	vld.msk [tilespmem:s17+$0x0 ss:$0x1], $0xffff  }
.Ltmp4:
0x3a: {  	_ = 	snop;
	(pc) =	sbr.rel .LBB2_4-.Ltmp4, $1  }
0x3b: {  	_ =	sdelay $0x3  }
.LBB2_6:
0x3c: {  	_ =	sfence.sel $0x180000  }
0x3d: {  	s2 =	simm.s32 $0x2;
	[bflag:$0x0] =	sbarrier.arrive $0xFFFF  }
0x3e: {  	s30 =	simm.s32 $0x3;
	[sflag:s2] =	ssyncpa.u1 $0x1  }
0x3f: {  	s31 =	simm.s32 $0x1;
	[sflag:s30] =	ssyncpa.u1 $0x1  }
0x40: {  	[sflag:s31] =	ssyncpa.u1 $0x1  }
0x41: {  	p0 =	sne.s32 s0, $0x0;
	_ =	strace $0x90000047  }
0x42: {  	s0 =	sadd.s32 @!p0 $0x100000, s1;
	[bflag:$0x2] =	sbarrier.arrive $0xFFFF  }
0x43: {  	[sflag:s0] =	ssyncadd.tile.s32 @!p0 $0x1;
	_ =	shalt  }
.Lfunc_end2:
_tile_overlayer_lowered:
.L_overlay_start_2:
0x44: {  	(tag) =	ssettag $0x2  }
0x45: {  	s0 =	rddreg [dreg:$0x0];
	s2 =	stileid.u32  }
0x46: {  	s1 =	rddreg [dreg:$0x1];
	p0 =	sne.s32 s2, $0x0  }
0x47: {  	s3 =	rddreg [dreg:$0x2];
	[bflag:$0x3] =	sbarrier.arrive $0xFFFF;
	s2 =	simm.s32 @!p0 $0x1C01  }
0x48: {  	[timem:s3], [sflag:s2] =	dma.local @!p0 [hbm:s0], s1  }
0x49: {  	s0 =	simm.s32 @!p0 $0x1  }
0x4a: {  	_ =	swait.ge @!p0 [sflag:s0], s1  }
0x4b: {  	s1 =	ssub.s32 @!p0 $0x0, s1;
	[sflag:s0] =	ssyncset.done @!p0 $0x0  }
0x4c: {  	[sflag:s0] =	ssyncadd.s32 @!p0 s1  }
0x4d: {  	[bflag:$0x3] =	sbarrier.arrive $0xFFFF  }
0x4e: {  	_ =	shalt  }

</sc_bundles>
